<compile_context>
chip_gen: v7x
topology: tpu7x:2x2x1
jax: 0.10.2.dev20260603
libtpu: 0.0.44.dev20260713+nightly
codegen_flags: <defaults>
</compile_context>

<pallas_src>
import jax
import jax.numpy as jnp
from jax import lax
from jax.experimental import pallas as pl
from jax.experimental.pallas import tpu as pltpu
from jax.experimental.pallas import tpu_sc as plsc

L = 16
NC, NS = 2, 16
NW = NC * NS
NBUF = 4
H = 524288


def _sc_pool_kernel(b, seq, d, vpacked):
    rows_per_w = b // NW
    dchunks = d // L
    inv = 1.0 / seq

    def body(p_hbm, h_hbm, tab_hbm, outp_hbm, outh_hbm,
             idxp_v, idxh_v, b0, b1, b2, b3, pool_v, s0, s1, s2, s3):
        cid = lax.axis_index("c")
        sid = lax.axis_index("s")
        wid = sid * NC + cid
        base = wid * rows_per_w

        bufs = (b0, b1, b2, b3)
        sems = (s0, s1, s2, s3)

        pltpu.sync_copy(p_hbm.at[pl.ds(base, rows_per_w)], idxp_v)
        pltpu.sync_copy(h_hbm.at[pl.ds(base, rows_per_w)], idxh_v)

        zeros = tuple(jnp.zeros((L,), jnp.float32) for _ in range(dchunks))

        for idx_v, out_hbm in ((idxp_v, outp_hbm), (idxh_v, outh_hbm)):
            for k in range(NBUF):
                pltpu.async_copy(tab_hbm.at[idx_v.at[k]], bufs[k], sems[k])

            def step(i, carry):
                for k in range(NBUF):
                    g = NBUF * i + k
                    pltpu.make_async_copy(
                        tab_hbm.at[idx_v.at[g]], bufs[k], sems[k]).wait()

                    def s_body(s, accs, _buf=bufs[k]):
                        return tuple(accs[c] + _buf[s, pl.ds(c * L, L)]
                                     for c in range(dchunks))
                    accs = lax.fori_loop(0, seq, s_body, zeros)
                    for c in range(dchunks):
                        pool_v[g, pl.ds(c * L, L)] = accs[c] * inv

                    @pl.when(g + NBUF < rows_per_w)
                    def _():
                        pltpu.async_copy(
                            tab_hbm.at[idx_v.at[g + NBUF]], bufs[k], sems[k])
                return carry

            lax.fori_loop(0, rows_per_w // NBUF, step, 0)
            pltpu.sync_copy(pool_v, out_hbm.at[pl.ds(base, rows_per_w)])

    return pl.kernel(
        body,
        out_type=[jax.ShapeDtypeStruct((b, d), jnp.float32),
                  jax.ShapeDtypeStruct((b, d), jnp.float32)],
        mesh=plsc.VectorSubcoreMesh(core_axis_name="c", subcore_axis_name="s",
                                    num_cores=NC, num_subcores=NS),
        scratch_types=(
            [pltpu.VMEM((rows_per_w, seq), jnp.int32)] * 2
            + [pltpu.VMEM((seq, d), jnp.float32)] * NBUF
            + [pltpu.VMEM((rows_per_w, d), jnp.float32)]
            + [pltpu.SemaphoreType.DMA] * NBUF
        ),
        compiler_params=pltpu.CompilerParams(use_tc_tiling_on_sc=False),
    )


def _repack_body(xa_ref, xb_ref, o_ref):
    d = xa_ref.shape[0]
    o_ref[:, 0:d] = jnp.swapaxes(xa_ref[...], 0, 1)
    o_ref[:, d:] = jnp.swapaxes(xb_ref[...], 0, 1)


def _repack(tab_t, v, d):
    bv = 16384
    edge = v // bv
    return pl.pallas_call(
        _repack_body,
        grid=(H // bv,),
        in_specs=[
            pl.BlockSpec((d, bv), lambda i: (0, i)),
            pl.BlockSpec((d, bv), lambda i: (0, jnp.minimum(i + H // bv, edge))),
        ],
        out_specs=pl.BlockSpec((bv, 2 * d), lambda i: (i, 0)),
        out_shape=jax.ShapeDtypeStruct((H, 2 * d), jnp.float32),
        compiler_params=pltpu.CompilerParams(vmem_limit_bytes=100 * 1024 * 1024),
    )(tab_t, tab_t)


def _linear_body(xp_ref, xh_ref, w_ref, b_ref, o_ref):
    d = xp_ref.shape[1]
    o_ref[...] = (
        jnp.dot(xp_ref[...], w_ref[0:d, :], preferred_element_type=jnp.float32)
        + jnp.dot(xh_ref[...], w_ref[d:2 * d, :], preferred_element_type=jnp.float32)
        + b_ref[...]
    )


def kernel(premise, hypothesis, emb_table, fc_w, fc_b):
    b, seq = premise.shape
    _, d = emb_table.shape
    odim = fc_w.shape[0]

    v = emb_table.shape[0]
    tab_c = _repack(jnp.swapaxes(emb_table, 0, 1), v, d)
    tab_lin = jnp.reshape(tab_c, (2 * H, d))

    def remap(ix):
        ix = ix.astype(jnp.int32)
        return jnp.where(ix < H, 2 * ix, 2 * (ix - H) + 1).astype(jnp.int32)

    pooled_p, pooled_h = _sc_pool_kernel(b, seq, d, 2 * H)(
        remap(premise), remap(hypothesis), tab_lin)

    wpad = jnp.zeros((2 * d, 128), jnp.float32).at[:, :odim].set(fc_w.T)
    bpad = jnp.zeros((1, 128), jnp.float32).at[0, :odim].set(fc_b)

    bm = 512
    out_pad = pl.pallas_call(
        _linear_body,
        grid=(b // bm,),
        in_specs=[
            pl.BlockSpec((bm, d), lambda i: (i, 0)),
            pl.BlockSpec((bm, d), lambda i: (i, 0)),
            pl.BlockSpec((2 * d, 128), lambda i: (0, 0)),
            pl.BlockSpec((1, 128), lambda i: (0, 0)),
        ],
        out_specs=pl.BlockSpec((bm, 128), lambda i: (i, 0)),
        out_shape=jax.ShapeDtypeStruct((b, 128), jnp.float32),
    )(pooled_p, pooled_h, wpad, bpad)

    return out_pad[:, :odim]

# --- scband reference (transcript-rebuilt; emitter-appended) ---
"""Pipeline reference for scband-baseline-49340584296872 (READ-ONLY COPY).

The authoritative reference and input builder live on the scoring server;
editing this copy changes nothing except your own understanding.
"""

import jax, jax.numpy as jnp
import numpy as np

VOCAB = 1000000
EMBED_DIM = 64
OUTPUT_DIM = 3
BATCH = 4096
SEQ = 50


def setup_inputs(seed: int = 0) -> dict:
    key = jax.random.key(seed)
    k1, k2, k3, k4, k5 = jax.random.split(key, 5)
    premise = jax.random.randint(k1, (BATCH, SEQ), 0, VOCAB, dtype=jnp.int64 if jax.config.jax_enable_x64 else jnp.int32)
    hypothesis = jax.random.randint(k2, (BATCH, SEQ), 0, VOCAB, dtype=jnp.int64 if jax.config.jax_enable_x64 else jnp.int32)
    emb_table = jax.random.normal(k3, (VOCAB, EMBED_DIM), dtype=jnp.float32)
    fc_w = jax.random.normal(k4, (OUTPUT_DIM, 2 * EMBED_DIM), dtype=jnp.float32) * (1.0 / np.sqrt(2 * EMBED_DIM))
    fc_b = jax.random.normal(k5, (OUTPUT_DIM,), dtype=jnp.float32) * 0.01
    return {"premise": premise, "hypothesis": hypothesis, "emb_table": emb_table, "fc_w": fc_w, "fc_b": fc_b}


def reference(premise, hypothesis, emb_table, fc_w, fc_b):
    # premise_embedded = self.embedding(premise).mean(dim=1)
    premise_embedded = jnp.take(emb_table, premise, axis=0).mean(axis=1)
    # hypothesis_embedded = self.embedding(hypothesis).mean(dim=1)
    hypothesis_embedded = jnp.take(emb_table, hypothesis, axis=0).mean(axis=1)
    # concatenated = torch.cat((premise_embedded, hypothesis_embedded), dim=1)
    concatenated = jnp.concatenate((premise_embedded, hypothesis_embedded), axis=1)
    # output = self.fc(concatenated)
    output = concatenated @ fc_w.T + fc_b
    return output

if __name__ == "__main__":
    import jax
    _d = setup_inputs()
    print(jax.jit(kernel)(*tuple(_d.values())))

</pallas_src>

<mosaic_0001>
#map = affine_map<(d0, d1) -> (0, 0)>
module attributes {stable_mosaic.version = 14 : i64} {
  func.func @body(%arg0: i32, %arg1: i32, %arg2: memref<4096x50xi32, #tpu.memory_space<hbm>>, %arg3: memref<4096x50xi32, #tpu.memory_space<hbm>>, %arg4: memref<1048576x64xf32, #tpu.memory_space<hbm>>, %arg5: memref<4096x64xf32, #tpu.memory_space<hbm>>, %arg6: memref<4096x64xf32, #tpu.memory_space<hbm>>, %arg7: memref<128x50xi32, #tpu.memory_space<vmem>>, %arg8: memref<128x50xi32, #tpu.memory_space<vmem>>, %arg9: memref<50x64xf32, #tpu.memory_space<vmem>>, %arg10: memref<50x64xf32, #tpu.memory_space<vmem>>, %arg11: memref<50x64xf32, #tpu.memory_space<vmem>>, %arg12: memref<50x64xf32, #tpu.memory_space<vmem>>, %arg13: memref<128x64xf32, #tpu.memory_space<vmem>>, %arg14: memref<!tpu.dma_semaphore, #tpu.memory_space<semaphore_mem>>, %arg15: memref<!tpu.dma_semaphore, #tpu.memory_space<semaphore_mem>>, %arg16: memref<!tpu.dma_semaphore, #tpu.memory_space<semaphore_mem>>, %arg17: memref<!tpu.dma_semaphore, #tpu.memory_space<semaphore_mem>>) attributes {dimension_semantics = [#tpu.dimension_semantics<core_parallel>, #tpu.dimension_semantics<subcore_parallel>], iteration_bounds = array<i64: 2, 16>, scalar_prefetch = 0 : i64, scratch_operands = 11 : i64, tpu.core_type = #tpu.core_type<sc_vector_subcore>, window_params = [{transform_indices = #map}, {transform_indices = #map}, {transform_indices = #map}, {transform_indices = #map}, {transform_indices = #map}]} {
    %mul3A = arith.constant 2 : i32
    %mul3A_0 = arith.muli %arg1, %mul3A : i32
    %add3A = arith.addi %mul3A_0, %arg0 : i32
    %mul3A_1 = arith.constant 128 : i32
    %mul3A_2 = arith.muli %add3A, %mul3A_1 : i32
    "tpu.region"() ({
      %run_scoped3A = tpu.sem_alloc : memref<!tpu.dma_semaphore, #tpu.memory_space<semaphore_mem>>
      %dma_start3A_76 = arith.constant 0 : i32
      %dma_start3A_77 = tpu.memref_slice %arg2[%mul3A_2, %dma_start3A_76] : memref<4096x50xi32, #tpu.memory_space<hbm>> -> memref<128x50xi32, #tpu.memory_space<hbm>>
      %dma_start3A_78 = arith.constant 0 : i32
      %dma_start3A_79 = tpu.memref_slice %arg2[%mul3A_2, %dma_start3A_78] : memref<4096x50xi32, #tpu.memory_space<hbm>> -> memref<128x50xi32, #tpu.memory_space<hbm>>
      tpu.enqueue_dma source(%dma_start3A_79 : memref<128x50xi32, #tpu.memory_space<hbm>>) target(%arg7 : memref<128x50xi32, #tpu.memory_space<vmem>>) target_semaphore(%run_scoped3A : memref<!tpu.dma_semaphore, #tpu.memory_space<semaphore_mem>>)
      %dma_wait3A = arith.constant 0 : i32
      %dma_wait3A_80 = tpu.memref_slice %arg2[%mul3A_2, %dma_wait3A] : memref<4096x50xi32, #tpu.memory_space<hbm>> -> memref<128x50xi32, #tpu.memory_space<hbm>>
      %dma_wait3A_81 = arith.constant 0 : i32
      %dma_wait3A_82 = tpu.memref_slice %arg2[%mul3A_2, %dma_wait3A_81] : memref<4096x50xi32, #tpu.memory_space<hbm>> -> memref<128x50xi32, #tpu.memory_space<hbm>>
      tpu.wait_dma2 semaphore(%run_scoped3A : memref<!tpu.dma_semaphore, #tpu.memory_space<semaphore_mem>>) src(%dma_wait3A_82 : memref<128x50xi32, #tpu.memory_space<hbm>>) dst(%arg7 : memref<128x50xi32, #tpu.memory_space<vmem>>)
      tpu.yield
    }) : () -> ()
    "tpu.region"() ({
      %run_scoped3A = tpu.sem_alloc : memref<!tpu.dma_semaphore, #tpu.memory_space<semaphore_mem>>
      %dma_start3A_76 = arith.constant 0 : i32
      %dma_start3A_77 = tpu.memref_slice %arg3[%mul3A_2, %dma_start3A_76] : memref<4096x50xi32, #tpu.memory_space<hbm>> -> memref<128x50xi32, #tpu.memory_space<hbm>>
      %dma_start3A_78 = arith.constant 0 : i32
      %dma_start3A_79 = tpu.memref_slice %arg3[%mul3A_2, %dma_start3A_78] : memref<4096x50xi32, #tpu.memory_space<hbm>> -> memref<128x50xi32, #tpu.memory_space<hbm>>
      tpu.enqueue_dma source(%dma_start3A_79 : memref<128x50xi32, #tpu.memory_space<hbm>>) target(%arg8 : memref<128x50xi32, #tpu.memory_space<vmem>>) target_semaphore(%run_scoped3A : memref<!tpu.dma_semaphore, #tpu.memory_space<semaphore_mem>>)
      %dma_wait3A = arith.constant 0 : i32
      %dma_wait3A_80 = tpu.memref_slice %arg3[%mul3A_2, %dma_wait3A] : memref<4096x50xi32, #tpu.memory_space<hbm>> -> memref<128x50xi32, #tpu.memory_space<hbm>>
      %dma_wait3A_81 = arith.constant 0 : i32
      %dma_wait3A_82 = tpu.memref_slice %arg3[%mul3A_2, %dma_wait3A_81] : memref<4096x50xi32, #tpu.memory_space<hbm>> -> memref<128x50xi32, #tpu.memory_space<hbm>>
      tpu.wait_dma2 semaphore(%run_scoped3A : memref<!tpu.dma_semaphore, #tpu.memory_space<semaphore_mem>>) src(%dma_wait3A_82 : memref<128x50xi32, #tpu.memory_space<hbm>>) dst(%arg8 : memref<128x50xi32, #tpu.memory_space<vmem>>)
      tpu.yield
    }) : () -> ()
    %broadcast_in_dim3A = arith.constant 0.000000e+00 : f32
    %broadcast_in_dim3A_3 = vector.broadcast %broadcast_in_dim3A : f32 to vector<16xf32>
    %broadcast_in_dim3A_4 = arith.constant 0.000000e+00 : f32
    %broadcast_in_dim3A_5 = vector.broadcast %broadcast_in_dim3A_4 : f32 to vector<16xf32>
    %broadcast_in_dim3A_6 = arith.constant 0.000000e+00 : f32
    %broadcast_in_dim3A_7 = vector.broadcast %broadcast_in_dim3A_6 : f32 to vector<16xf32>
    %broadcast_in_dim3A_8 = arith.constant 0.000000e+00 : f32
    %broadcast_in_dim3A_9 = vector.broadcast %broadcast_in_dim3A_8 : f32 to vector<16xf32>
    %dma_start3A = arith.constant 0 : i32
    %dma_start3A_10 = arith.constant 0 : i32
    %dma_start3A_11 = tpu.memref_slice %arg7[%dma_start3A, %dma_start3A_10] : memref<128x50xi32, #tpu.memory_space<vmem>> -> memref<1x50xi32, #tpu.memory_space<vmem>>
    %dma_start3A_12 = tpu.memref_squeeze %dma_start3A_11 : memref<1x50xi32, #tpu.memory_space<vmem>> -> memref<50xi32, #tpu.memory_space<vmem>>
    %dma_start3A_13 = arith.constant 0 : i32
    %dma_start3A_14 = arith.constant 0 : i32
    %dma_start3A_15 = tpu.memref_slice %arg4[%dma_start3A_13, %dma_start3A_14] : memref<1048576x64xf32, #tpu.memory_space<hbm>> -> memref<1048576x64xf32, #tpu.memory_space<hbm>>
    tpu.enqueue_indirect_dma source(%dma_start3A_15 : memref<1048576x64xf32, #tpu.memory_space<hbm>>) target(%arg9 : memref<50x64xf32, #tpu.memory_space<vmem>>) offsets(%dma_start3A_12 : memref<50xi32, #tpu.memory_space<vmem>>) semaphore(%arg14 : memref<!tpu.dma_semaphore, #tpu.memory_space<semaphore_mem>>)
    %dma_start3A_16 = arith.constant 1 : i32
    %dma_start3A_17 = arith.constant 0 : i32
    %dma_start3A_18 = tpu.memref_slice %arg7[%dma_start3A_16, %dma_start3A_17] : memref<128x50xi32, #tpu.memory_space<vmem>> -> memref<1x50xi32, #tpu.memory_space<vmem>>
    %dma_start3A_19 = tpu.memref_squeeze %dma_start3A_18 : memref<1x50xi32, #tpu.memory_space<vmem>> -> memref<50xi32, #tpu.memory_space<vmem>>
    %dma_start3A_20 = arith.constant 0 : i32
    %dma_start3A_21 = arith.constant 0 : i32
    %dma_start3A_22 = tpu.memref_slice %arg4[%dma_start3A_20, %dma_start3A_21] : memref<1048576x64xf32, #tpu.memory_space<hbm>> -> memref<1048576x64xf32, #tpu.memory_space<hbm>>
    tpu.enqueue_indirect_dma source(%dma_start3A_22 : memref<1048576x64xf32, #tpu.memory_space<hbm>>) target(%arg10 : memref<50x64xf32, #tpu.memory_space<vmem>>) offsets(%dma_start3A_19 : memref<50xi32, #tpu.memory_space<vmem>>) semaphore(%arg15 : memref<!tpu.dma_semaphore, #tpu.memory_space<semaphore_mem>>)
    %dma_start3A_23 = arith.constant 2 : i32
    %dma_start3A_24 = arith.constant 0 : i32
    %dma_start3A_25 = tpu.memref_slice %arg7[%dma_start3A_23, %dma_start3A_24] : memref<128x50xi32, #tpu.memory_space<vmem>> -> memref<1x50xi32, #tpu.memory_space<vmem>>
    %dma_start3A_26 = tpu.memref_squeeze %dma_start3A_25 : memref<1x50xi32, #tpu.memory_space<vmem>> -> memref<50xi32, #tpu.memory_space<vmem>>
    %dma_start3A_27 = arith.constant 0 : i32
    %dma_start3A_28 = arith.constant 0 : i32
    %dma_start3A_29 = tpu.memref_slice %arg4[%dma_start3A_27, %dma_start3A_28] : memref<1048576x64xf32, #tpu.memory_space<hbm>> -> memref<1048576x64xf32, #tpu.memory_space<hbm>>
    tpu.enqueue_indirect_dma source(%dma_start3A_29 : memref<1048576x64xf32, #tpu.memory_space<hbm>>) target(%arg11 : memref<50x64xf32, #tpu.memory_space<vmem>>) offsets(%dma_start3A_26 : memref<50xi32, #tpu.memory_space<vmem>>) semaphore(%arg16 : memref<!tpu.dma_semaphore, #tpu.memory_space<semaphore_mem>>)
    %dma_start3A_30 = arith.constant 3 : i32
    %dma_start3A_31 = arith.constant 0 : i32
    %dma_start3A_32 = tpu.memref_slice %arg7[%dma_start3A_30, %dma_start3A_31] : memref<128x50xi32, #tpu.memory_space<vmem>> -> memref<1x50xi32, #tpu.memory_space<vmem>>
    %dma_start3A_33 = tpu.memref_squeeze %dma_start3A_32 : memref<1x50xi32, #tpu.memory_space<vmem>> -> memref<50xi32, #tpu.memory_space<vmem>>
    %dma_start3A_34 = arith.constant 0 : i32
    %dma_start3A_35 = arith.constant 0 : i32
    %dma_start3A_36 = tpu.memref_slice %arg4[%dma_start3A_34, %dma_start3A_35] : memref<1048576x64xf32, #tpu.memory_space<hbm>> -> memref<1048576x64xf32, #tpu.memory_space<hbm>>
    tpu.enqueue_indirect_dma source(%dma_start3A_36 : memref<1048576x64xf32, #tpu.memory_space<hbm>>) target(%arg12 : memref<50x64xf32, #tpu.memory_space<vmem>>) offsets(%dma_start3A_33 : memref<50xi32, #tpu.memory_space<vmem>>) semaphore(%arg17 : memref<!tpu.dma_semaphore, #tpu.memory_space<semaphore_mem>>)
    %scan3A = arith.constant 0 : i32
    %scan3A_37 = arith.constant 0 : i32
    %scan3A_38 = arith.constant 32 : i32
    %scan3A_39 = arith.addi %scan3A_37, %scan3A_38 : i32
    %scan3A_40 = arith.constant 1 : i32
    scf.for %scan3A_76 = %scan3A_37 to %scan3A_39 step %scan3A_40  : i32 {
      %mul3A_77 = arith.constant 4 : i32
      %mul3A_78 = arith.muli %mul3A_77, %scan3A_76 : i32
      %add3A_79 = arith.constant 0 : i32
      %add3A_80 = arith.addi %mul3A_78, %add3A_79 : i32
      %dma_wait3A = arith.constant 0 : i32
      %dma_wait3A_81 = tpu.memref_slice %arg7[%add3A_80, %dma_wait3A] : memref<128x50xi32, #tpu.memory_space<vmem>> -> memref<1x50xi32, #tpu.memory_space<vmem>>
      %dma_wait3A_82 = tpu.memref_squeeze %dma_wait3A_81 : memref<1x50xi32, #tpu.memory_space<vmem>> -> memref<50xi32, #tpu.memory_space<vmem>>
      %dma_wait3A_83 = arith.constant 0 : i32
      %dma_wait3A_84 = arith.constant 0 : i32
      %dma_wait3A_85 = tpu.memref_slice %arg4[%dma_wait3A_83, %dma_wait3A_84] : memref<1048576x64xf32, #tpu.memory_space<hbm>> -> memref<1048576x64xf32, #tpu.memory_space<hbm>>
      tpu.wait_indirect_dma semaphore(%arg14 : memref<!tpu.dma_semaphore, #tpu.memory_space<semaphore_mem>>) src(%dma_wait3A_85 : memref<1048576x64xf32, #tpu.memory_space<hbm>>) dst(%arg9 : memref<50x64xf32, #tpu.memory_space<vmem>>)
      %scan3A_86 = arith.constant 0 : i32
      %scan3A_87 = arith.constant 50 : i32
      %scan3A_88 = arith.addi %scan3A_86, %scan3A_87 : i32
      %scan3A_89 = arith.constant 1 : i32
      %scan3A_90:4 = scf.for %scan3A_292 = %scan3A_86 to %scan3A_88 step %scan3A_89 iter_args(%scan3A_293 = %broadcast_in_dim3A_3, %scan3A_294 = %broadcast_in_dim3A_5, %scan3A_295 = %broadcast_in_dim3A_7, %scan3A_296 = %broadcast_in_dim3A_9) -> (vector<16xf32>, vector<16xf32>, vector<16xf32>, vector<16xf32>)  : i32 {
        %get3A = arith.index_cast %scan3A_292 : i32 to index
        %get3A_297 = arith.constant 0 : index
        %get3A_298 = tpu.vector_load %arg9[%get3A, %get3A_297] {strides = array<i32>} : memref<50x64xf32, #tpu.memory_space<vmem>>, vector<1x16xf32>,
        %get3A_299 = vector.shape_cast %get3A_298 : vector<1x16xf32> to vector<16xf32>
        %add3A_300 = arith.addf %scan3A_293, %get3A_299 : vector<16xf32>
        %get3A_301 = arith.index_cast %scan3A_292 : i32 to index
        %get3A_302 = arith.constant 16 : index
        %get3A_303 = tpu.vector_load %arg9[%get3A_301, %get3A_302] {strides = array<i32>} : memref<50x64xf32, #tpu.memory_space<vmem>>, vector<1x16xf32>,
        %get3A_304 = vector.shape_cast %get3A_303 : vector<1x16xf32> to vector<16xf32>
        %add3A_305 = arith.addf %scan3A_294, %get3A_304 : vector<16xf32>
        %get3A_306 = arith.index_cast %scan3A_292 : i32 to index
        %get3A_307 = arith.constant 32 : index
        %get3A_308 = tpu.vector_load %arg9[%get3A_306, %get3A_307] {strides = array<i32>} : memref<50x64xf32, #tpu.memory_space<vmem>>, vector<1x16xf32>,
        %get3A_309 = vector.shape_cast %get3A_308 : vector<1x16xf32> to vector<16xf32>
        %add3A_310 = arith.addf %scan3A_295, %get3A_309 : vector<16xf32>
        %get3A_311 = arith.index_cast %scan3A_292 : i32 to index
        %get3A_312 = arith.constant 48 : index
        %get3A_313 = tpu.vector_load %arg9[%get3A_311, %get3A_312] {strides = array<i32>} : memref<50x64xf32, #tpu.memory_space<vmem>>, vector<1x16xf32>,
        %get3A_314 = vector.shape_cast %get3A_313 : vector<1x16xf32> to vector<16xf32>
        %add3A_315 = arith.addf %scan3A_296, %get3A_314 : vector<16xf32>
        scf.yield %add3A_300, %add3A_305, %add3A_310, %add3A_315 : vector<16xf32>, vector<16xf32>, vector<16xf32>, vector<16xf32>
      }
      %scan3A_91 = arith.constant 50 : i32
      %mul3A_92 = arith.constant 2.000000e-02 : f32
      %mul3A_93 = vector.broadcast %mul3A_92 : f32 to vector<16xf32>
      %mul3A_94 = arith.mulf %scan3A_90#0, %mul3A_93 : vector<16xf32>
      %swap3A = arith.index_cast %add3A_80 : i32 to index
      %swap3A_95 = arith.constant 0 : index
      %swap3A_96 = tpu.vector_load %arg13[%swap3A, %swap3A_95] {strides = array<i32>} : memref<128x64xf32, #tpu.memory_space<vmem>>, vector<1x16xf32>,
      %swap3A_97 = vector.shape_cast %swap3A_96 : vector<1x16xf32> to vector<16xf32>
      %swap3A_98 = vector.shape_cast %mul3A_94 : vector<16xf32> to vector<1x16xf32>
      tpu.vector_store %arg13[%swap3A, %swap3A_95], %swap3A_98 {strides = array<i32>} : memref<128x64xf32, #tpu.memory_space<vmem>>, vector<1x16xf32>,
      %mul3A_99 = arith.constant 2.000000e-02 : f32
      %mul3A_100 = vector.broadcast %mul3A_99 : f32 to vector<16xf32>
      %mul3A_101 = arith.mulf %scan3A_90#1, %mul3A_100 : vector<16xf32>
      %swap3A_102 = arith.index_cast %add3A_80 : i32 to index
      %swap3A_103 = arith.constant 16 : index
      %swap3A_104 = tpu.vector_load %arg13[%swap3A_102, %swap3A_103] {strides = array<i32>} : memref<128x64xf32, #tpu.memory_space<vmem>>, vector<1x16xf32>,
      %swap3A_105 = vector.shape_cast %swap3A_104 : vector<1x16xf32> to vector<16xf32>
      %swap3A_106 = vector.shape_cast %mul3A_101 : vector<16xf32> to vector<1x16xf32>
      tpu.vector_store %arg13[%swap3A_102, %swap3A_103], %swap3A_106 {strides = array<i32>} : memref<128x64xf32, #tpu.memory_space<vmem>>, vector<1x16xf32>,
      %mul3A_107 = arith.constant 2.000000e-02 : f32
      %mul3A_108 = vector.broadcast %mul3A_107 : f32 to vector<16xf32>
      %mul3A_109 = arith.mulf %scan3A_90#2, %mul3A_108 : vector<16xf32>
      %swap3A_110 = arith.index_cast %add3A_80 : i32 to index
      %swap3A_111 = arith.constant 32 : index
      %swap3A_112 = tpu.vector_load %arg13[%swap3A_110, %swap3A_111] {strides = array<i32>} : memref<128x64xf32, #tpu.memory_space<vmem>>, vector<1x16xf32>,
      %swap3A_113 = vector.shape_cast %swap3A_112 : vector<1x16xf32> to vector<16xf32>
      %swap3A_114 = vector.shape_cast %mul3A_109 : vector<16xf32> to vector<1x16xf32>
      tpu.vector_store %arg13[%swap3A_110, %swap3A_111], %swap3A_114 {strides = array<i32>} : memref<128x64xf32, #tpu.memory_space<vmem>>, vector<1x16xf32>,
      %mul3A_115 = arith.constant 2.000000e-02 : f32
      %mul3A_116 = vector.broadcast %mul3A_115 : f32 to vector<16xf32>
      %mul3A_117 = arith.mulf %scan3A_90#3, %mul3A_116 : vector<16xf32>
      %swap3A_118 = arith.index_cast %add3A_80 : i32 to index
      %swap3A_119 = arith.constant 48 : index
      %swap3A_120 = tpu.vector_load %arg13[%swap3A_118, %swap3A_119] {strides = array<i32>} : memref<128x64xf32, #tpu.memory_space<vmem>>, vector<1x16xf32>,
      %swap3A_121 = vector.shape_cast %swap3A_120 : vector<1x16xf32> to vector<16xf32>
      %swap3A_122 = vector.shape_cast %mul3A_117 : vector<16xf32> to vector<1x16xf32>
      tpu.vector_store %arg13[%swap3A_118, %swap3A_119], %swap3A_122 {strides = array<i32>} : memref<128x64xf32, #tpu.memory_space<vmem>>, vector<1x16xf32>,
      %add3A_123 = arith.constant 4 : i32
      %add3A_124 = arith.addi %add3A_80, %add3A_123 : i32
      %lt3A = arith.constant 128 : i32
      %lt3A_125 = arith.cmpi slt, %add3A_124, %lt3A : i32
      %convert_element_type3A = arith.extui %lt3A_125 : i1 to i32
      %cond3A = arith.constant 0 : i32
      %cond3A_126 = arith.cmpi ne, %convert_element_type3A, %cond3A : i32
      scf.if %cond3A_126 {
        %add3A_292 = arith.constant 4 : i32
        %add3A_293 = arith.addi %add3A_80, %add3A_292 : i32
        %dma_start3A_294 = arith.constant 0 : i32
        %dma_start3A_295 = tpu.memref_slice %arg7[%add3A_293, %dma_start3A_294] : memref<128x50xi32, #tpu.memory_space<vmem>> -> memref<1x50xi32, #tpu.memory_space<vmem>>
        %dma_start3A_296 = tpu.memref_squeeze %dma_start3A_295 : memref<1x50xi32, #tpu.memory_space<vmem>> -> memref<50xi32, #tpu.memory_space<vmem>>
        %dma_start3A_297 = arith.constant 0 : i32
        %dma_start3A_298 = arith.constant 0 : i32
        %dma_start3A_299 = tpu.memref_slice %arg4[%dma_start3A_297, %dma_start3A_298] : memref<1048576x64xf32, #tpu.memory_space<hbm>> -> memref<1048576x64xf32, #tpu.memory_space<hbm>>
        tpu.enqueue_indirect_dma source(%dma_start3A_299 : memref<1048576x64xf32, #tpu.memory_space<hbm>>) target(%arg9 : memref<50x64xf32, #tpu.memory_space<vmem>>) offsets(%dma_start3A_296 : memref<50xi32, #tpu.memory_space<vmem>>) semaphore(%arg14 : memref<!tpu.dma_semaphore, #tpu.memory_space<semaphore_mem>>)
      } else {
      }
      %mul3A_127 = arith.constant 4 : i32
      %mul3A_128 = arith.muli %mul3A_127, %scan3A_76 : i32
      %add3A_129 = arith.constant 1 : i32
      %add3A_130 = arith.addi %mul3A_128, %add3A_129 : i32
      %dma_wait3A_131 = arith.constant 0 : i32
      %dma_wait3A_132 = tpu.memref_slice %arg7[%add3A_130, %dma_wait3A_131] : memref<128x50xi32, #tpu.memory_space<vmem>> -> memref<1x50xi32, #tpu.memory_space<vmem>>
      %dma_wait3A_133 = tpu.memref_squeeze %dma_wait3A_132 : memref<1x50xi32, #tpu.memory_space<vmem>> -> memref<50xi32, #tpu.memory_space<vmem>>
      %dma_wait3A_134 = arith.constant 0 : i32
      %dma_wait3A_135 = arith.constant 0 : i32
      %dma_wait3A_136 = tpu.memref_slice %arg4[%dma_wait3A_134, %dma_wait3A_135] : memref<1048576x64xf32, #tpu.memory_space<hbm>> -> memref<1048576x64xf32, #tpu.memory_space<hbm>>
      tpu.wait_indirect_dma semaphore(%arg15 : memref<!tpu.dma_semaphore, #tpu.memory_space<semaphore_mem>>) src(%dma_wait3A_136 : memref<1048576x64xf32, #tpu.memory_space<hbm>>) dst(%arg10 : memref<50x64xf32, #tpu.memory_space<vmem>>)
      %scan3A_137 = arith.constant 0 : i32
      %scan3A_138 = arith.constant 50 : i32
      %scan3A_139 = arith.addi %scan3A_137, %scan3A_138 : i32
      %scan3A_140 = arith.constant 1 : i32
      %scan3A_141:4 = scf.for %scan3A_292 = %scan3A_137 to %scan3A_139 step %scan3A_140 iter_args(%scan3A_293 = %broadcast_in_dim3A_3, %scan3A_294 = %broadcast_in_dim3A_5, %scan3A_295 = %broadcast_in_dim3A_7, %scan3A_296 = %broadcast_in_dim3A_9) -> (vector<16xf32>, vector<16xf32>, vector<16xf32>, vector<16xf32>)  : i32 {
        %get3A = arith.index_cast %scan3A_292 : i32 to index
        %get3A_297 = arith.constant 0 : index
        %get3A_298 = tpu.vector_load %arg10[%get3A, %get3A_297] {strides = array<i32>} : memref<50x64xf32, #tpu.memory_space<vmem>>, vector<1x16xf32>,
        %get3A_299 = vector.shape_cast %get3A_298 : vector<1x16xf32> to vector<16xf32>
        %add3A_300 = arith.addf %scan3A_293, %get3A_299 : vector<16xf32>
        %get3A_301 = arith.index_cast %scan3A_292 : i32 to index
        %get3A_302 = arith.constant 16 : index
        %get3A_303 = tpu.vector_load %arg10[%get3A_301, %get3A_302] {strides = array<i32>} : memref<50x64xf32, #tpu.memory_space<vmem>>, vector<1x16xf32>,
        %get3A_304 = vector.shape_cast %get3A_303 : vector<1x16xf32> to vector<16xf32>
        %add3A_305 = arith.addf %scan3A_294, %get3A_304 : vector<16xf32>
        %get3A_306 = arith.index_cast %scan3A_292 : i32 to index
        %get3A_307 = arith.constant 32 : index
        %get3A_308 = tpu.vector_load %arg10[%get3A_306, %get3A_307] {strides = array<i32>} : memref<50x64xf32, #tpu.memory_space<vmem>>, vector<1x16xf32>,
        %get3A_309 = vector.shape_cast %get3A_308 : vector<1x16xf32> to vector<16xf32>
        %add3A_310 = arith.addf %scan3A_295, %get3A_309 : vector<16xf32>
        %get3A_311 = arith.index_cast %scan3A_292 : i32 to index
        %get3A_312 = arith.constant 48 : index
        %get3A_313 = tpu.vector_load %arg10[%get3A_311, %get3A_312] {strides = array<i32>} : memref<50x64xf32, #tpu.memory_space<vmem>>, vector<1x16xf32>,
        %get3A_314 = vector.shape_cast %get3A_313 : vector<1x16xf32> to vector<16xf32>
        %add3A_315 = arith.addf %scan3A_296, %get3A_314 : vector<16xf32>
        scf.yield %add3A_300, %add3A_305, %add3A_310, %add3A_315 : vector<16xf32>, vector<16xf32>, vector<16xf32>, vector<16xf32>
      }
      %scan3A_142 = arith.constant 50 : i32
      %mul3A_143 = arith.constant 2.000000e-02 : f32
      %mul3A_144 = vector.broadcast %mul3A_143 : f32 to vector<16xf32>
      %mul3A_145 = arith.mulf %scan3A_141#0, %mul3A_144 : vector<16xf32>
      %swap3A_146 = arith.index_cast %add3A_130 : i32 to index
      %swap3A_147 = arith.constant 0 : index
      %swap3A_148 = tpu.vector_load %arg13[%swap3A_146, %swap3A_147] {strides = array<i32>} : memref<128x64xf32, #tpu.memory_space<vmem>>, vector<1x16xf32>,
      %swap3A_149 = vector.shape_cast %swap3A_148 : vector<1x16xf32> to vector<16xf32>
      %swap3A_150 = vector.shape_cast %mul3A_145 : vector<16xf32> to vector<1x16xf32>
      tpu.vector_store %arg13[%swap3A_146, %swap3A_147], %swap3A_150 {strides = array<i32>} : memref<128x64xf32, #tpu.memory_space<vmem>>, vector<1x16xf32>,
      %mul3A_151 = arith.constant 2.000000e-02 : f32
      %mul3A_152 = vector.broadcast %mul3A_151 : f32 to vector<16xf32>
      %mul3A_153 = arith.mulf %scan3A_141#1, %mul3A_152 : vector<16xf32>
      %swap3A_154 = arith.index_cast %add3A_130 : i32 to index
      %swap3A_155 = arith.constant 16 : index
      %swap3A_156 = tpu.vector_load %arg13[%swap3A_154, %swap3A_155] {strides = array<i32>} : memref<128x64xf32, #tpu.memory_space<vmem>>, vector<1x16xf32>,
      %swap3A_157 = vector.shape_cast %swap3A_156 : vector<1x16xf32> to vector<16xf32>
      %swap3A_158 = vector.shape_cast %mul3A_153 : vector<16xf32> to vector<1x16xf32>
      tpu.vector_store %arg13[%swap3A_154, %swap3A_155], %swap3A_158 {strides = array<i32>} : memref<128x64xf32, #tpu.memory_space<vmem>>, vector<1x16xf32>,
      %mul3A_159 = arith.constant 2.000000e-02 : f32
      %mul3A_160 = vector.broadcast %mul3A_159 : f32 to vector<16xf32>
      %mul3A_161 = arith.mulf %scan3A_141#2, %mul3A_160 : vector<16xf32>
      %swap3A_162 = arith.index_cast %add3A_130 : i32 to index
      %swap3A_163 = arith.constant 32 : index
      %swap3A_164 = tpu.vector_load %arg13[%swap3A_162, %swap3A_163] {strides = array<i32>} : memref<128x64xf32, #tpu.memory_space<vmem>>, vector<1x16xf32>,
      %swap3A_165 = vector.shape_cast %swap3A_164 : vector<1x16xf32> to vector<16xf32>
      %swap3A_166 = vector.shape_cast %mul3A_161 : vector<16xf32> to vector<1x16xf32>
      tpu.vector_store %arg13[%swap3A_162, %swap3A_163], %swap3A_166 {strides = array<i32>} : memref<128x64xf32, #tpu.memory_space<vmem>>, vector<1x16xf32>,
      %mul3A_167 = arith.constant 2.000000e-02 : f32
      %mul3A_168 = vector.broadcast %mul3A_167 : f32 to vector<16xf32>
      %mul3A_169 = arith.mulf %scan3A_141#3, %mul3A_168 : vector<16xf32>
      %swap3A_170 = arith.index_cast %add3A_130 : i32 to index
      %swap3A_171 = arith.constant 48 : index
      %swap3A_172 = tpu.vector_load %arg13[%swap3A_170, %swap3A_171] {strides = array<i32>} : memref<128x64xf32, #tpu.memory_space<vmem>>, vector<1x16xf32>,
      %swap3A_173 = vector.shape_cast %swap3A_172 : vector<1x16xf32> to vector<16xf32>
      %swap3A_174 = vector.shape_cast %mul3A_169 : vector<16xf32> to vector<1x16xf32>
      tpu.vector_store %arg13[%swap3A_170, %swap3A_171], %swap3A_174 {strides = array<i32>} : memref<128x64xf32, #tpu.memory_space<vmem>>, vector<1x16xf32>,
      %add3A_175 = arith.constant 4 : i32
      %add3A_176 = arith.addi %add3A_130, %add3A_175 : i32
      %lt3A_177 = arith.constant 128 : i32
      %lt3A_178 = arith.cmpi slt, %add3A_176, %lt3A_177 : i32
      %convert_element_type3A_179 = arith.extui %lt3A_178 : i1 to i32
      %cond3A_180 = arith.constant 0 : i32
      %cond3A_181 = arith.cmpi ne, %convert_element_type3A_179, %cond3A_180 : i32
      scf.if %cond3A_181 {
        %add3A_292 = arith.constant 4 : i32
        %add3A_293 = arith.addi %add3A_130, %add3A_292 : i32
        %dma_start3A_294 = arith.constant 0 : i32
        %dma_start3A_295 = tpu.memref_slice %arg7[%add3A_293, %dma_start3A_294] : memref<128x50xi32, #tpu.memory_space<vmem>> -> memref<1x50xi32, #tpu.memory_space<vmem>>
        %dma_start3A_296 = tpu.memref_squeeze %dma_start3A_295 : memref<1x50xi32, #tpu.memory_space<vmem>> -> memref<50xi32, #tpu.memory_space<vmem>>
        %dma_start3A_297 = arith.constant 0 : i32
        %dma_start3A_298 = arith.constant 0 : i32
        %dma_start3A_299 = tpu.memref_slice %arg4[%dma_start3A_297, %dma_start3A_298] : memref<1048576x64xf32, #tpu.memory_space<hbm>> -> memref<1048576x64xf32, #tpu.memory_space<hbm>>
        tpu.enqueue_indirect_dma source(%dma_start3A_299 : memref<1048576x64xf32, #tpu.memory_space<hbm>>) target(%arg10 : memref<50x64xf32, #tpu.memory_space<vmem>>) offsets(%dma_start3A_296 : memref<50xi32, #tpu.memory_space<vmem>>) semaphore(%arg15 : memref<!tpu.dma_semaphore, #tpu.memory_space<semaphore_mem>>)
      } else {
      }
      %mul3A_182 = arith.constant 4 : i32
      %mul3A_183 = arith.muli %mul3A_182, %scan3A_76 : i32
      %add3A_184 = arith.constant 2 : i32
      %add3A_185 = arith.addi %mul3A_183, %add3A_184 : i32
      %dma_wait3A_186 = arith.constant 0 : i32
      %dma_wait3A_187 = tpu.memref_slice %arg7[%add3A_185, %dma_wait3A_186] : memref<128x50xi32, #tpu.memory_space<vmem>> -> memref<1x50xi32, #tpu.memory_space<vmem>>
      %dma_wait3A_188 = tpu.memref_squeeze %dma_wait3A_187 : memref<1x50xi32, #tpu.memory_space<vmem>> -> memref<50xi32, #tpu.memory_space<vmem>>
      %dma_wait3A_189 = arith.constant 0 : i32
      %dma_wait3A_190 = arith.constant 0 : i32
      %dma_wait3A_191 = tpu.memref_slice %arg4[%dma_wait3A_189, %dma_wait3A_190] : memref<1048576x64xf32, #tpu.memory_space<hbm>> -> memref<1048576x64xf32, #tpu.memory_space<hbm>>
      tpu.wait_indirect_dma semaphore(%arg16 : memref<!tpu.dma_semaphore, #tpu.memory_space<semaphore_mem>>) src(%dma_wait3A_191 : memref<1048576x64xf32, #tpu.memory_space<hbm>>) dst(%arg11 : memref<50x64xf32, #tpu.memory_space<vmem>>)
      %scan3A_192 = arith.constant 0 : i32
      %scan3A_193 = arith.constant 50 : i32
      %scan3A_194 = arith.addi %scan3A_192, %scan3A_193 : i32
      %scan3A_195 = arith.constant 1 : i32
      %scan3A_196:4 = scf.for %scan3A_292 = %scan3A_192 to %scan3A_194 step %scan3A_195 iter_args(%scan3A_293 = %broadcast_in_dim3A_3, %scan3A_294 = %broadcast_in_dim3A_5, %scan3A_295 = %broadcast_in_dim3A_7, %scan3A_296 = %broadcast_in_dim3A_9) -> (vector<16xf32>, vector<16xf32>, vector<16xf32>, vector<16xf32>)  : i32 {
        %get3A = arith.index_cast %scan3A_292 : i32 to index
        %get3A_297 = arith.constant 0 : index
        %get3A_298 = tpu.vector_load %arg11[%get3A, %get3A_297] {strides = array<i32>} : memref<50x64xf32, #tpu.memory_space<vmem>>, vector<1x16xf32>,
        %get3A_299 = vector.shape_cast %get3A_298 : vector<1x16xf32> to vector<16xf32>
        %add3A_300 = arith.addf %scan3A_293, %get3A_299 : vector<16xf32>
        %get3A_301 = arith.index_cast %scan3A_292 : i32 to index
        %get3A_302 = arith.constant 16 : index
        %get3A_303 = tpu.vector_load %arg11[%get3A_301, %get3A_302] {strides = array<i32>} : memref<50x64xf32, #tpu.memory_space<vmem>>, vector<1x16xf32>,
        %get3A_304 = vector.shape_cast %get3A_303 : vector<1x16xf32> to vector<16xf32>
        %add3A_305 = arith.addf %scan3A_294, %get3A_304 : vector<16xf32>
        %get3A_306 = arith.index_cast %scan3A_292 : i32 to index
        %get3A_307 = arith.constant 32 : index
        %get3A_308 = tpu.vector_load %arg11[%get3A_306, %get3A_307] {strides = array<i32>} : memref<50x64xf32, #tpu.memory_space<vmem>>, vector<1x16xf32>,
        %get3A_309 = vector.shape_cast %get3A_308 : vector<1x16xf32> to vector<16xf32>
        %add3A_310 = arith.addf %scan3A_295, %get3A_309 : vector<16xf32>
        %get3A_311 = arith.index_cast %scan3A_292 : i32 to index
        %get3A_312 = arith.constant 48 : index
        %get3A_313 = tpu.vector_load %arg11[%get3A_311, %get3A_312] {strides = array<i32>} : memref<50x64xf32, #tpu.memory_space<vmem>>, vector<1x16xf32>,
        %get3A_314 = vector.shape_cast %get3A_313 : vector<1x16xf32> to vector<16xf32>
        %add3A_315 = arith.addf %scan3A_296, %get3A_314 : vector<16xf32>
        scf.yield %add3A_300, %add3A_305, %add3A_310, %add3A_315 : vector<16xf32>, vector<16xf32>, vector<16xf32>, vector<16xf32>
      }
      %scan3A_197 = arith.constant 50 : i32
      %mul3A_198 = arith.constant 2.000000e-02 : f32
      %mul3A_199 = vector.broadcast %mul3A_198 : f32 to vector<16xf32>
      %mul3A_200 = arith.mulf %scan3A_196#0, %mul3A_199 : vector<16xf32>
      %swap3A_201 = arith.index_cast %add3A_185 : i32 to index
      %swap3A_202 = arith.constant 0 : index
      %swap3A_203 = tpu.vector_load %arg13[%swap3A_201, %swap3A_202] {strides = array<i32>} : memref<128x64xf32, #tpu.memory_space<vmem>>, vector<1x16xf32>,
      %swap3A_204 = vector.shape_cast %swap3A_203 : vector<1x16xf32> to vector<16xf32>
      %swap3A_205 = vector.shape_cast %mul3A_200 : vector<16xf32> to vector<1x16xf32>
      tpu.vector_store %arg13[%swap3A_201, %swap3A_202], %swap3A_205 {strides = array<i32>} : memref<128x64xf32, #tpu.memory_space<vmem>>, vector<1x16xf32>,
      %mul3A_206 = arith.constant 2.000000e-02 : f32
      %mul3A_207 = vector.broadcast %mul3A_206 : f32 to vector<16xf32>
      %mul3A_208 = arith.mulf %scan3A_196#1, %mul3A_207 : vector<16xf32>
      %swap3A_209 = arith.index_cast %add3A_185 : i32 to index
      %swap3A_210 = arith.constant 16 : index
      %swap3A_211 = tpu.vector_load %arg13[%swap3A_209, %swap3A_210] {strides = array<i32>} : memref<128x64xf32, #tpu.memory_space<vmem>>, vector<1x16xf32>,
      %swap3A_212 = vector.shape_cast %swap3A_211 : vector<1x16xf32> to vector<16xf32>
      %swap3A_213 = vector.shape_cast %mul3A_208 : vector<16xf32> to vector<1x16xf32>
      tpu.vector_store %arg13[%swap3A_209, %swap3A_210], %swap3A_213 {strides = array<i32>} : memref<128x64xf32, #tpu.memory_space<vmem>>, vector<1x16xf32>,
      %mul3A_214 = arith.constant 2.000000e-02 : f32
      %mul3A_215 = vector.broadcast %mul3A_214 : f32 to vector<16xf32>
      %mul3A_216 = arith.mulf %scan3A_196#2, %mul3A_215 : vector<16xf32>
      %swap3A_217 = arith.index_cast %add3A_185 : i32 to index
      %swap3A_218 = arith.constant 32 : index
      %swap3A_219 = tpu.vector_load %arg13[%swap3A_217, %swap3A_218] {strides = array<i32>} : memref<128x64xf32, #tpu.memory_space<vmem>>, vector<1x16xf32>,
      %swap3A_220 = vector.shape_cast %swap3A_219 : vector<1x16xf32> to vector<16xf32>
      %swap3A_221 = vector.shape_cast %mul3A_216 : vector<16xf32> to vector<1x16xf32>
      tpu.vector_store %arg13[%swap3A_217, %swap3A_218], %swap3A_221 {strides = array<i32>} : memref<128x64xf32, #tpu.memory_space<vmem>>, vector<1x16xf32>,
      %mul3A_222 = arith.constant 2.000000e-02 : f32
      %mul3A_223 = vector.broadcast %mul3A_222 : f32 to vector<16xf32>
      %mul3A_224 = arith.mulf %scan3A_196#3, %mul3A_223 : vector<16xf32>
      %swap3A_225 = arith.index_cast %add3A_185 : i32 to index
      %swap3A_226 = arith.constant 48 : index
      %swap3A_227 = tpu.vector_load %arg13[%swap3A_225, %swap3A_226] {strides = array<i32>} : memref<128x64xf32, #tpu.memory_space<vmem>>, vector<1x16xf32>,
      %swap3A_228 = vector.shape_cast %swap3A_227 : vector<1x16xf32> to vector<16xf32>
      %swap3A_229 = vector.shape_cast %mul3A_224 : vector<16xf32> to vector<1x16xf32>
      tpu.vector_store %arg13[%swap3A_225, %swap3A_226], %swap3A_229 {strides = array<i32>} : memref<128x64xf32, #tpu.memory_space<vmem>>, vector<1x16xf32>,
      %add3A_230 = arith.constant 4 : i32
      %add3A_231 = arith.addi %add3A_185, %add3A_230 : i32
      %lt3A_232 = arith.constant 128 : i32
      %lt3A_233 = arith.cmpi slt, %add3A_231, %lt3A_232 : i32
      %convert_element_type3A_234 = arith.extui %lt3A_233 : i1 to i32
      %cond3A_235 = arith.constant 0 : i32
      %cond3A_236 = arith.cmpi ne, %convert_element_type3A_234, %cond3A_235 : i32
      scf.if %cond3A_236 {
        %add3A_292 = arith.constant 4 : i32
        %add3A_293 = arith.addi %add3A_185, %add3A_292 : i32
        %dma_start3A_294 = arith.constant 0 : i32
        %dma_start3A_295 = tpu.memref_slice %arg7[%add3A_293, %dma_start3A_294] : memref<128x50xi32, #tpu.memory_space<vmem>> -> memref<1x50xi32, #tpu.memory_space<vmem>>
        %dma_start3A_296 = tpu.memref_squeeze %dma_start3A_295 : memref<1x50xi32, #tpu.memory_space<vmem>> -> memref<50xi32, #tpu.memory_space<vmem>>
        %dma_start3A_297 = arith.constant 0 : i32
        %dma_start3A_298 = arith.constant 0 : i32
        %dma_start3A_299 = tpu.memref_slice %arg4[%dma_start3A_297, %dma_start3A_298] : memref<1048576x64xf32, #tpu.memory_space<hbm>> -> memref<1048576x64xf32, #tpu.memory_space<hbm>>
        tpu.enqueue_indirect_dma source(%dma_start3A_299 : memref<1048576x64xf32, #tpu.memory_space<hbm>>) target(%arg11 : memref<50x64xf32, #tpu.memory_space<vmem>>) offsets(%dma_start3A_296 : memref<50xi32, #tpu.memory_space<vmem>>) semaphore(%arg16 : memref<!tpu.dma_semaphore, #tpu.memory_space<semaphore_mem>>)
      } else {
      }
      %mul3A_237 = arith.constant 4 : i32
      %mul3A_238 = arith.muli %mul3A_237, %scan3A_76 : i32
      %add3A_239 = arith.constant 3 : i32
      %add3A_240 = arith.addi %mul3A_238, %add3A_239 : i32
      %dma_wait3A_241 = arith.constant 0 : i32
      %dma_wait3A_242 = tpu.memref_slice %arg7[%add3A_240, %dma_wait3A_241] : memref<128x50xi32, #tpu.memory_space<vmem>> -> memref<1x50xi32, #tpu.memory_space<vmem>>
      %dma_wait3A_243 = tpu.memref_squeeze %dma_wait3A_242 : memref<1x50xi32, #tpu.memory_space<vmem>> -> memref<50xi32, #tpu.memory_space<vmem>>
      %dma_wait3A_244 = arith.constant 0 : i32
      %dma_wait3A_245 = arith.constant 0 : i32
      %dma_wait3A_246 = tpu.memref_slice %arg4[%dma_wait3A_244, %dma_wait3A_245] : memref<1048576x64xf32, #tpu.memory_space<hbm>> -> memref<1048576x64xf32, #tpu.memory_space<hbm>>
      tpu.wait_indirect_dma semaphore(%arg17 : memref<!tpu.dma_semaphore, #tpu.memory_space<semaphore_mem>>) src(%dma_wait3A_246 : memref<1048576x64xf32, #tpu.memory_space<hbm>>) dst(%arg12 : memref<50x64xf32, #tpu.memory_space<vmem>>)
      %scan3A_247 = arith.constant 0 : i32
      %scan3A_248 = arith.constant 50 : i32
      %scan3A_249 = arith.addi %scan3A_247, %scan3A_248 : i32
      %scan3A_250 = arith.constant 1 : i32
      %scan3A_251:4 = scf.for %scan3A_292 = %scan3A_247 to %scan3A_249 step %scan3A_250 iter_args(%scan3A_293 = %broadcast_in_dim3A_3, %scan3A_294 = %broadcast_in_dim3A_5, %scan3A_295 = %broadcast_in_dim3A_7, %scan3A_296 = %broadcast_in_dim3A_9) -> (vector<16xf32>, vector<16xf32>, vector<16xf32>, vector<16xf32>)  : i32 {
        %get3A = arith.index_cast %scan3A_292 : i32 to index
        %get3A_297 = arith.constant 0 : index
        %get3A_298 = tpu.vector_load %arg12[%get3A, %get3A_297] {strides = array<i32>} : memref<50x64xf32, #tpu.memory_space<vmem>>, vector<1x16xf32>,
        %get3A_299 = vector.shape_cast %get3A_298 : vector<1x16xf32> to vector<16xf32>
        %add3A_300 = arith.addf %scan3A_293, %get3A_299 : vector<16xf32>
        %get3A_301 = arith.index_cast %scan3A_292 : i32 to index
        %get3A_302 = arith.constant 16 : index
        %get3A_303 = tpu.vector_load %arg12[%get3A_301, %get3A_302] {strides = array<i32>} : memref<50x64xf32, #tpu.memory_space<vmem>>, vector<1x16xf32>,
        %get3A_304 = vector.shape_cast %get3A_303 : vector<1x16xf32> to vector<16xf32>
        %add3A_305 = arith.addf %scan3A_294, %get3A_304 : vector<16xf32>
        %get3A_306 = arith.index_cast %scan3A_292 : i32 to index
        %get3A_307 = arith.constant 32 : index
        %get3A_308 = tpu.vector_load %arg12[%get3A_306, %get3A_307] {strides = array<i32>} : memref<50x64xf32, #tpu.memory_space<vmem>>, vector<1x16xf32>,
        %get3A_309 = vector.shape_cast %get3A_308 : vector<1x16xf32> to vector<16xf32>
        %add3A_310 = arith.addf %scan3A_295, %get3A_309 : vector<16xf32>
        %get3A_311 = arith.index_cast %scan3A_292 : i32 to index
        %get3A_312 = arith.constant 48 : index
        %get3A_313 = tpu.vector_load %arg12[%get3A_311, %get3A_312] {strides = array<i32>} : memref<50x64xf32, #tpu.memory_space<vmem>>, vector<1x16xf32>,
        %get3A_314 = vector.shape_cast %get3A_313 : vector<1x16xf32> to vector<16xf32>
        %add3A_315 = arith.addf %scan3A_296, %get3A_314 : vector<16xf32>
        scf.yield %add3A_300, %add3A_305, %add3A_310, %add3A_315 : vector<16xf32>, vector<16xf32>, vector<16xf32>, vector<16xf32>
      }
      %scan3A_252 = arith.constant 50 : i32
      %mul3A_253 = arith.constant 2.000000e-02 : f32
      %mul3A_254 = vector.broadcast %mul3A_253 : f32 to vector<16xf32>
      %mul3A_255 = arith.mulf %scan3A_251#0, %mul3A_254 : vector<16xf32>
      %swap3A_256 = arith.index_cast %add3A_240 : i32 to index
      %swap3A_257 = arith.constant 0 : index
      %swap3A_258 = tpu.vector_load %arg13[%swap3A_256, %swap3A_257] {strides = array<i32>} : memref<128x64xf32, #tpu.memory_space<vmem>>, vector<1x16xf32>,
      %swap3A_259 = vector.shape_cast %swap3A_258 : vector<1x16xf32> to vector<16xf32>
      %swap3A_260 = vector.shape_cast %mul3A_255 : vector<16xf32> to vector<1x16xf32>
      tpu.vector_store %arg13[%swap3A_256, %swap3A_257], %swap3A_260 {strides = array<i32>} : memref<128x64xf32, #tpu.memory_space<vmem>>, vector<1x16xf32>,
      %mul3A_261 = arith.constant 2.000000e-02 : f32
      %mul3A_262 = vector.broadcast %mul3A_261 : f32 to vector<16xf32>
      %mul3A_263 = arith.mulf %scan3A_251#1, %mul3A_262 : vector<16xf32>
      %swap3A_264 = arith.index_cast %add3A_240 : i32 to index
      %swap3A_265 = arith.constant 16 : index
      %swap3A_266 = tpu.vector_load %arg13[%swap3A_264, %swap3A_265] {strides = array<i32>} : memref<128x64xf32, #tpu.memory_space<vmem>>, vector<1x16xf32>,
      %swap3A_267 = vector.shape_cast %swap3A_266 : vector<1x16xf32> to vector<16xf32>
      %swap3A_268 = vector.shape_cast %mul3A_263 : vector<16xf32> to vector<1x16xf32>
      tpu.vector_store %arg13[%swap3A_264, %swap3A_265], %swap3A_268 {strides = array<i32>} : memref<128x64xf32, #tpu.memory_space<vmem>>, vector<1x16xf32>,
      %mul3A_269 = arith.constant 2.000000e-02 : f32
      %mul3A_270 = vector.broadcast %mul3A_269 : f32 to vector<16xf32>
      %mul3A_271 = arith.mulf %scan3A_251#2, %mul3A_270 : vector<16xf32>
      %swap3A_272 = arith.index_cast %add3A_240 : i32 to index
      %swap3A_273 = arith.constant 32 : index
      %swap3A_274 = tpu.vector_load %arg13[%swap3A_272, %swap3A_273] {strides = array<i32>} : memref<128x64xf32, #tpu.memory_space<vmem>>, vector<1x16xf32>,
      %swap3A_275 = vector.shape_cast %swap3A_274 : vector<1x16xf32> to vector<16xf32>
      %swap3A_276 = vector.shape_cast %mul3A_271 : vector<16xf32> to vector<1x16xf32>
      tpu.vector_store %arg13[%swap3A_272, %swap3A_273], %swap3A_276 {strides = array<i32>} : memref<128x64xf32, #tpu.memory_space<vmem>>, vector<1x16xf32>,
      %mul3A_277 = arith.constant 2.000000e-02 : f32
      %mul3A_278 = vector.broadcast %mul3A_277 : f32 to vector<16xf32>
      %mul3A_279 = arith.mulf %scan3A_251#3, %mul3A_278 : vector<16xf32>
      %swap3A_280 = arith.index_cast %add3A_240 : i32 to index
      %swap3A_281 = arith.constant 48 : index
      %swap3A_282 = tpu.vector_load %arg13[%swap3A_280, %swap3A_281] {strides = array<i32>} : memref<128x64xf32, #tpu.memory_space<vmem>>, vector<1x16xf32>,
      %swap3A_283 = vector.shape_cast %swap3A_282 : vector<1x16xf32> to vector<16xf32>
      %swap3A_284 = vector.shape_cast %mul3A_279 : vector<16xf32> to vector<1x16xf32>
      tpu.vector_store %arg13[%swap3A_280, %swap3A_281], %swap3A_284 {strides = array<i32>} : memref<128x64xf32, #tpu.memory_space<vmem>>, vector<1x16xf32>,
      %add3A_285 = arith.constant 4 : i32
      %add3A_286 = arith.addi %add3A_240, %add3A_285 : i32
      %lt3A_287 = arith.constant 128 : i32
      %lt3A_288 = arith.cmpi slt, %add3A_286, %lt3A_287 : i32
      %convert_element_type3A_289 = arith.extui %lt3A_288 : i1 to i32
      %cond3A_290 = arith.constant 0 : i32
      %cond3A_291 = arith.cmpi ne, %convert_element_type3A_289, %cond3A_290 : i32
      scf.if %cond3A_291 {
        %add3A_292 = arith.constant 4 : i32
        %add3A_293 = arith.addi %add3A_240, %add3A_292 : i32
        %dma_start3A_294 = arith.constant 0 : i32
        %dma_start3A_295 = tpu.memref_slice %arg7[%add3A_293, %dma_start3A_294] : memref<128x50xi32, #tpu.memory_space<vmem>> -> memref<1x50xi32, #tpu.memory_space<vmem>>
        %dma_start3A_296 = tpu.memref_squeeze %dma_start3A_295 : memref<1x50xi32, #tpu.memory_space<vmem>> -> memref<50xi32, #tpu.memory_space<vmem>>
        %dma_start3A_297 = arith.constant 0 : i32
        %dma_start3A_298 = arith.constant 0 : i32
        %dma_start3A_299 = tpu.memref_slice %arg4[%dma_start3A_297, %dma_start3A_298] : memref<1048576x64xf32, #tpu.memory_space<hbm>> -> memref<1048576x64xf32, #tpu.memory_space<hbm>>
        tpu.enqueue_indirect_dma source(%dma_start3A_299 : memref<1048576x64xf32, #tpu.memory_space<hbm>>) target(%arg12 : memref<50x64xf32, #tpu.memory_space<vmem>>) offsets(%dma_start3A_296 : memref<50xi32, #tpu.memory_space<vmem>>) semaphore(%arg17 : memref<!tpu.dma_semaphore, #tpu.memory_space<semaphore_mem>>)
      } else {
      }
    }
    %scan3A_41 = arith.constant 32 : i32
    "tpu.region"() ({
      %run_scoped3A = tpu.sem_alloc : memref<!tpu.dma_semaphore, #tpu.memory_space<semaphore_mem>>
      %dma_start3A_76 = arith.constant 0 : i32
      %dma_start3A_77 = tpu.memref_slice %arg5[%mul3A_2, %dma_start3A_76] : memref<4096x64xf32, #tpu.memory_space<hbm>> -> memref<128x64xf32, #tpu.memory_space<hbm>>
      %dma_start3A_78 = arith.constant 0 : i32
      %dma_start3A_79 = tpu.memref_slice %arg5[%mul3A_2, %dma_start3A_78] : memref<4096x64xf32, #tpu.memory_space<hbm>> -> memref<128x64xf32, #tpu.memory_space<hbm>>
      tpu.enqueue_dma source(%arg13 : memref<128x64xf32, #tpu.memory_space<vmem>>) target(%dma_start3A_79 : memref<128x64xf32, #tpu.memory_space<hbm>>) target_semaphore(%run_scoped3A : memref<!tpu.dma_semaphore, #tpu.memory_space<semaphore_mem>>)
      %dma_wait3A = arith.constant 0 : i32
      %dma_wait3A_80 = tpu.memref_slice %arg5[%mul3A_2, %dma_wait3A] : memref<4096x64xf32, #tpu.memory_space<hbm>> -> memref<128x64xf32, #tpu.memory_space<hbm>>
      %dma_wait3A_81 = arith.constant 0 : i32
      %dma_wait3A_82 = tpu.memref_slice %arg5[%mul3A_2, %dma_wait3A_81] : memref<4096x64xf32, #tpu.memory_space<hbm>> -> memref<128x64xf32, #tpu.memory_space<hbm>>
      tpu.wait_dma2 semaphore(%run_scoped3A : memref<!tpu.dma_semaphore, #tpu.memory_space<semaphore_mem>>) src(%arg13 : memref<128x64xf32, #tpu.memory_space<vmem>>) dst(%dma_wait3A_82 : memref<128x64xf32, #tpu.memory_space<hbm>>)
      tpu.yield
    }) : () -> ()
    %dma_start3A_42 = arith.constant 0 : i32
    %dma_start3A_43 = arith.constant 0 : i32
    %dma_start3A_44 = tpu.memref_slice %arg8[%dma_start3A_42, %dma_start3A_43] : memref<128x50xi32, #tpu.memory_space<vmem>> -> memref<1x50xi32, #tpu.memory_space<vmem>>
    %dma_start3A_45 = tpu.memref_squeeze %dma_start3A_44 : memref<1x50xi32, #tpu.memory_space<vmem>> -> memref<50xi32, #tpu.memory_space<vmem>>
    %dma_start3A_46 = arith.constant 0 : i32
    %dma_start3A_47 = arith.constant 0 : i32
    %dma_start3A_48 = tpu.memref_slice %arg4[%dma_start3A_46, %dma_start3A_47] : memref<1048576x64xf32, #tpu.memory_space<hbm>> -> memref<1048576x64xf32, #tpu.memory_space<hbm>>
    tpu.enqueue_indirect_dma source(%dma_start3A_48 : memref<1048576x64xf32, #tpu.memory_space<hbm>>) target(%arg9 : memref<50x64xf32, #tpu.memory_space<vmem>>) offsets(%dma_start3A_45 : memref<50xi32, #tpu.memory_space<vmem>>) semaphore(%arg14 : memref<!tpu.dma_semaphore, #tpu.memory_space<semaphore_mem>>)
    %dma_start3A_49 = arith.constant 1 : i32
    %dma_start3A_50 = arith.constant 0 : i32
    %dma_start3A_51 = tpu.memref_slice %arg8[%dma_start3A_49, %dma_start3A_50] : memref<128x50xi32, #tpu.memory_space<vmem>> -> memref<1x50xi32, #tpu.memory_space<vmem>>
    %dma_start3A_52 = tpu.memref_squeeze %dma_start3A_51 : memref<1x50xi32, #tpu.memory_space<vmem>> -> memref<50xi32, #tpu.memory_space<vmem>>
    %dma_start3A_53 = arith.constant 0 : i32
    %dma_start3A_54 = arith.constant 0 : i32
    %dma_start3A_55 = tpu.memref_slice %arg4[%dma_start3A_53, %dma_start3A_54] : memref<1048576x64xf32, #tpu.memory_space<hbm>> -> memref<1048576x64xf32, #tpu.memory_space<hbm>>
    tpu.enqueue_indirect_dma source(%dma_start3A_55 : memref<1048576x64xf32, #tpu.memory_space<hbm>>) target(%arg10 : memref<50x64xf32, #tpu.memory_space<vmem>>) offsets(%dma_start3A_52 : memref<50xi32, #tpu.memory_space<vmem>>) semaphore(%arg15 : memref<!tpu.dma_semaphore, #tpu.memory_space<semaphore_mem>>)
    %dma_start3A_56 = arith.constant 2 : i32
    %dma_start3A_57 = arith.constant 0 : i32
    %dma_start3A_58 = tpu.memref_slice %arg8[%dma_start3A_56, %dma_start3A_57] : memref<128x50xi32, #tpu.memory_space<vmem>> -> memref<1x50xi32, #tpu.memory_space<vmem>>
    %dma_start3A_59 = tpu.memref_squeeze %dma_start3A_58 : memref<1x50xi32, #tpu.memory_space<vmem>> -> memref<50xi32, #tpu.memory_space<vmem>>
    %dma_start3A_60 = arith.constant 0 : i32
    %dma_start3A_61 = arith.constant 0 : i32
    %dma_start3A_62 = tpu.memref_slice %arg4[%dma_start3A_60, %dma_start3A_61] : memref<1048576x64xf32, #tpu.memory_space<hbm>> -> memref<1048576x64xf32, #tpu.memory_space<hbm>>
    tpu.enqueue_indirect_dma source(%dma_start3A_62 : memref<1048576x64xf32, #tpu.memory_space<hbm>>) target(%arg11 : memref<50x64xf32, #tpu.memory_space<vmem>>) offsets(%dma_start3A_59 : memref<50xi32, #tpu.memory_space<vmem>>) semaphore(%arg16 : memref<!tpu.dma_semaphore, #tpu.memory_space<semaphore_mem>>)
    %dma_start3A_63 = arith.constant 3 : i32
    %dma_start3A_64 = arith.constant 0 : i32
    %dma_start3A_65 = tpu.memref_slice %arg8[%dma_start3A_63, %dma_start3A_64] : memref<128x50xi32, #tpu.memory_space<vmem>> -> memref<1x50xi32, #tpu.memory_space<vmem>>
    %dma_start3A_66 = tpu.memref_squeeze %dma_start3A_65 : memref<1x50xi32, #tpu.memory_space<vmem>> -> memref<50xi32, #tpu.memory_space<vmem>>
    %dma_start3A_67 = arith.constant 0 : i32
    %dma_start3A_68 = arith.constant 0 : i32
    %dma_start3A_69 = tpu.memref_slice %arg4[%dma_start3A_67, %dma_start3A_68] : memref<1048576x64xf32, #tpu.memory_space<hbm>> -> memref<1048576x64xf32, #tpu.memory_space<hbm>>
    tpu.enqueue_indirect_dma source(%dma_start3A_69 : memref<1048576x64xf32, #tpu.memory_space<hbm>>) target(%arg12 : memref<50x64xf32, #tpu.memory_space<vmem>>) offsets(%dma_start3A_66 : memref<50xi32, #tpu.memory_space<vmem>>) semaphore(%arg17 : memref<!tpu.dma_semaphore, #tpu.memory_space<semaphore_mem>>)
    %scan3A_70 = arith.constant 0 : i32
    %scan3A_71 = arith.constant 0 : i32
    %scan3A_72 = arith.constant 32 : i32
    %scan3A_73 = arith.addi %scan3A_71, %scan3A_72 : i32
    %scan3A_74 = arith.constant 1 : i32
    scf.for %scan3A_76 = %scan3A_71 to %scan3A_73 step %scan3A_74  : i32 {
      %mul3A_77 = arith.constant 4 : i32
      %mul3A_78 = arith.muli %mul3A_77, %scan3A_76 : i32
      %add3A_79 = arith.constant 0 : i32
      %add3A_80 = arith.addi %mul3A_78, %add3A_79 : i32
      %dma_wait3A = arith.constant 0 : i32
      %dma_wait3A_81 = tpu.memref_slice %arg8[%add3A_80, %dma_wait3A] : memref<128x50xi32, #tpu.memory_space<vmem>> -> memref<1x50xi32, #tpu.memory_space<vmem>>
      %dma_wait3A_82 = tpu.memref_squeeze %dma_wait3A_81 : memref<1x50xi32, #tpu.memory_space<vmem>> -> memref<50xi32, #tpu.memory_space<vmem>>
      %dma_wait3A_83 = arith.constant 0 : i32
      %dma_wait3A_84 = arith.constant 0 : i32
      %dma_wait3A_85 = tpu.memref_slice %arg4[%dma_wait3A_83, %dma_wait3A_84] : memref<1048576x64xf32, #tpu.memory_space<hbm>> -> memref<1048576x64xf32, #tpu.memory_space<hbm>>
      tpu.wait_indirect_dma semaphore(%arg14 : memref<!tpu.dma_semaphore, #tpu.memory_space<semaphore_mem>>) src(%dma_wait3A_85 : memref<1048576x64xf32, #tpu.memory_space<hbm>>) dst(%arg9 : memref<50x64xf32, #tpu.memory_space<vmem>>)
      %scan3A_86 = arith.constant 0 : i32
      %scan3A_87 = arith.constant 50 : i32
      %scan3A_88 = arith.addi %scan3A_86, %scan3A_87 : i32
      %scan3A_89 = arith.constant 1 : i32
      %scan3A_90:4 = scf.for %scan3A_292 = %scan3A_86 to %scan3A_88 step %scan3A_89 iter_args(%scan3A_293 = %broadcast_in_dim3A_3, %scan3A_294 = %broadcast_in_dim3A_5, %scan3A_295 = %broadcast_in_dim3A_7, %scan3A_296 = %broadcast_in_dim3A_9) -> (vector<16xf32>, vector<16xf32>, vector<16xf32>, vector<16xf32>)  : i32 {
        %get3A = arith.index_cast %scan3A_292 : i32 to index
        %get3A_297 = arith.constant 0 : index
        %get3A_298 = tpu.vector_load %arg9[%get3A, %get3A_297] {strides = array<i32>} : memref<50x64xf32, #tpu.memory_space<vmem>>, vector<1x16xf32>,
        %get3A_299 = vector.shape_cast %get3A_298 : vector<1x16xf32> to vector<16xf32>
        %add3A_300 = arith.addf %scan3A_293, %get3A_299 : vector<16xf32>
        %get3A_301 = arith.index_cast %scan3A_292 : i32 to index
        %get3A_302 = arith.constant 16 : index
        %get3A_303 = tpu.vector_load %arg9[%get3A_301, %get3A_302] {strides = array<i32>} : memref<50x64xf32, #tpu.memory_space<vmem>>, vector<1x16xf32>,
        %get3A_304 = vector.shape_cast %get3A_303 : vector<1x16xf32> to vector<16xf32>
        %add3A_305 = arith.addf %scan3A_294, %get3A_304 : vector<16xf32>
        %get3A_306 = arith.index_cast %scan3A_292 : i32 to index
        %get3A_307 = arith.constant 32 : index
        %get3A_308 = tpu.vector_load %arg9[%get3A_306, %get3A_307] {strides = array<i32>} : memref<50x64xf32, #tpu.memory_space<vmem>>, vector<1x16xf32>,
        %get3A_309 = vector.shape_cast %get3A_308 : vector<1x16xf32> to vector<16xf32>
        %add3A_310 = arith.addf %scan3A_295, %get3A_309 : vector<16xf32>
        %get3A_311 = arith.index_cast %scan3A_292 : i32 to index
        %get3A_312 = arith.constant 48 : index
        %get3A_313 = tpu.vector_load %arg9[%get3A_311, %get3A_312] {strides = array<i32>} : memref<50x64xf32, #tpu.memory_space<vmem>>, vector<1x16xf32>,
        %get3A_314 = vector.shape_cast %get3A_313 : vector<1x16xf32> to vector<16xf32>
        %add3A_315 = arith.addf %scan3A_296, %get3A_314 : vector<16xf32>
        scf.yield %add3A_300, %add3A_305, %add3A_310, %add3A_315 : vector<16xf32>, vector<16xf32>, vector<16xf32>, vector<16xf32>
      }
      %scan3A_91 = arith.constant 50 : i32
      %mul3A_92 = arith.constant 2.000000e-02 : f32
      %mul3A_93 = vector.broadcast %mul3A_92 : f32 to vector<16xf32>
      %mul3A_94 = arith.mulf %scan3A_90#0, %mul3A_93 : vector<16xf32>
      %swap3A = arith.index_cast %add3A_80 : i32 to index
      %swap3A_95 = arith.constant 0 : index
      %swap3A_96 = tpu.vector_load %arg13[%swap3A, %swap3A_95] {strides = array<i32>} : memref<128x64xf32, #tpu.memory_space<vmem>>, vector<1x16xf32>,
      %swap3A_97 = vector.shape_cast %swap3A_96 : vector<1x16xf32> to vector<16xf32>
      %swap3A_98 = vector.shape_cast %mul3A_94 : vector<16xf32> to vector<1x16xf32>
      tpu.vector_store %arg13[%swap3A, %swap3A_95], %swap3A_98 {strides = array<i32>} : memref<128x64xf32, #tpu.memory_space<vmem>>, vector<1x16xf32>,
      %mul3A_99 = arith.constant 2.000000e-02 : f32
      %mul3A_100 = vector.broadcast %mul3A_99 : f32 to vector<16xf32>
      %mul3A_101 = arith.mulf %scan3A_90#1, %mul3A_100 : vector<16xf32>
      %swap3A_102 = arith.index_cast %add3A_80 : i32 to index
      %swap3A_103 = arith.constant 16 : index
      %swap3A_104 = tpu.vector_load %arg13[%swap3A_102, %swap3A_103] {strides = array<i32>} : memref<128x64xf32, #tpu.memory_space<vmem>>, vector<1x16xf32>,
      %swap3A_105 = vector.shape_cast %swap3A_104 : vector<1x16xf32> to vector<16xf32>
      %swap3A_106 = vector.shape_cast %mul3A_101 : vector<16xf32> to vector<1x16xf32>
      tpu.vector_store %arg13[%swap3A_102, %swap3A_103], %swap3A_106 {strides = array<i32>} : memref<128x64xf32, #tpu.memory_space<vmem>>, vector<1x16xf32>,
      %mul3A_107 = arith.constant 2.000000e-02 : f32
      %mul3A_108 = vector.broadcast %mul3A_107 : f32 to vector<16xf32>
      %mul3A_109 = arith.mulf %scan3A_90#2, %mul3A_108 : vector<16xf32>
      %swap3A_110 = arith.index_cast %add3A_80 : i32 to index
      %swap3A_111 = arith.constant 32 : index
      %swap3A_112 = tpu.vector_load %arg13[%swap3A_110, %swap3A_111] {strides = array<i32>} : memref<128x64xf32, #tpu.memory_space<vmem>>, vector<1x16xf32>,
      %swap3A_113 = vector.shape_cast %swap3A_112 : vector<1x16xf32> to vector<16xf32>
      %swap3A_114 = vector.shape_cast %mul3A_109 : vector<16xf32> to vector<1x16xf32>
      tpu.vector_store %arg13[%swap3A_110, %swap3A_111], %swap3A_114 {strides = array<i32>} : memref<128x64xf32, #tpu.memory_space<vmem>>, vector<1x16xf32>,
      %mul3A_115 = arith.constant 2.000000e-02 : f32
      %mul3A_116 = vector.broadcast %mul3A_115 : f32 to vector<16xf32>
      %mul3A_117 = arith.mulf %scan3A_90#3, %mul3A_116 : vector<16xf32>
      %swap3A_118 = arith.index_cast %add3A_80 : i32 to index
      %swap3A_119 = arith.constant 48 : index
      %swap3A_120 = tpu.vector_load %arg13[%swap3A_118, %swap3A_119] {strides = array<i32>} : memref<128x64xf32, #tpu.memory_space<vmem>>, vector<1x16xf32>,
      %swap3A_121 = vector.shape_cast %swap3A_120 : vector<1x16xf32> to vector<16xf32>
      %swap3A_122 = vector.shape_cast %mul3A_117 : vector<16xf32> to vector<1x16xf32>
      tpu.vector_store %arg13[%swap3A_118, %swap3A_119], %swap3A_122 {strides = array<i32>} : memref<128x64xf32, #tpu.memory_space<vmem>>, vector<1x16xf32>,
      %add3A_123 = arith.constant 4 : i32
      %add3A_124 = arith.addi %add3A_80, %add3A_123 : i32
      %lt3A = arith.constant 128 : i32
      %lt3A_125 = arith.cmpi slt, %add3A_124, %lt3A : i32
      %convert_element_type3A = arith.extui %lt3A_125 : i1 to i32
      %cond3A = arith.constant 0 : i32
      %cond3A_126 = arith.cmpi ne, %convert_element_type3A, %cond3A : i32
      scf.if %cond3A_126 {
        %add3A_292 = arith.constant 4 : i32
        %add3A_293 = arith.addi %add3A_80, %add3A_292 : i32
        %dma_start3A_294 = arith.constant 0 : i32
        %dma_start3A_295 = tpu.memref_slice %arg8[%add3A_293, %dma_start3A_294] : memref<128x50xi32, #tpu.memory_space<vmem>> -> memref<1x50xi32, #tpu.memory_space<vmem>>
        %dma_start3A_296 = tpu.memref_squeeze %dma_start3A_295 : memref<1x50xi32, #tpu.memory_space<vmem>> -> memref<50xi32, #tpu.memory_space<vmem>>
        %dma_start3A_297 = arith.constant 0 : i32
        %dma_start3A_298 = arith.constant 0 : i32
        %dma_start3A_299 = tpu.memref_slice %arg4[%dma_start3A_297, %dma_start3A_298] : memref<1048576x64xf32, #tpu.memory_space<hbm>> -> memref<1048576x64xf32, #tpu.memory_space<hbm>>
        tpu.enqueue_indirect_dma source(%dma_start3A_299 : memref<1048576x64xf32, #tpu.memory_space<hbm>>) target(%arg9 : memref<50x64xf32, #tpu.memory_space<vmem>>) offsets(%dma_start3A_296 : memref<50xi32, #tpu.memory_space<vmem>>) semaphore(%arg14 : memref<!tpu.dma_semaphore, #tpu.memory_space<semaphore_mem>>)
      } else {
      }
      %mul3A_127 = arith.constant 4 : i32
      %mul3A_128 = arith.muli %mul3A_127, %scan3A_76 : i32
      %add3A_129 = arith.constant 1 : i32
      %add3A_130 = arith.addi %mul3A_128, %add3A_129 : i32
      %dma_wait3A_131 = arith.constant 0 : i32
      %dma_wait3A_132 = tpu.memref_slice %arg8[%add3A_130, %dma_wait3A_131] : memref<128x50xi32, #tpu.memory_space<vmem>> -> memref<1x50xi32, #tpu.memory_space<vmem>>
      %dma_wait3A_133 = tpu.memref_squeeze %dma_wait3A_132 : memref<1x50xi32, #tpu.memory_space<vmem>> -> memref<50xi32, #tpu.memory_space<vmem>>
      %dma_wait3A_134 = arith.constant 0 : i32
      %dma_wait3A_135 = arith.constant 0 : i32
      %dma_wait3A_136 = tpu.memref_slice %arg4[%dma_wait3A_134, %dma_wait3A_135] : memref<1048576x64xf32, #tpu.memory_space<hbm>> -> memref<1048576x64xf32, #tpu.memory_space<hbm>>
      tpu.wait_indirect_dma semaphore(%arg15 : memref<!tpu.dma_semaphore, #tpu.memory_space<semaphore_mem>>) src(%dma_wait3A_136 : memref<1048576x64xf32, #tpu.memory_space<hbm>>) dst(%arg10 : memref<50x64xf32, #tpu.memory_space<vmem>>)
      %scan3A_137 = arith.constant 0 : i32
      %scan3A_138 = arith.constant 50 : i32
      %scan3A_139 = arith.addi %scan3A_137, %scan3A_138 : i32
      %scan3A_140 = arith.constant 1 : i32
      %scan3A_141:4 = scf.for %scan3A_292 = %scan3A_137 to %scan3A_139 step %scan3A_140 iter_args(%scan3A_293 = %broadcast_in_dim3A_3, %scan3A_294 = %broadcast_in_dim3A_5, %scan3A_295 = %broadcast_in_dim3A_7, %scan3A_296 = %broadcast_in_dim3A_9) -> (vector<16xf32>, vector<16xf32>, vector<16xf32>, vector<16xf32>)  : i32 {
        %get3A = arith.index_cast %scan3A_292 : i32 to index
        %get3A_297 = arith.constant 0 : index
        %get3A_298 = tpu.vector_load %arg10[%get3A, %get3A_297] {strides = array<i32>} : memref<50x64xf32, #tpu.memory_space<vmem>>, vector<1x16xf32>,
        %get3A_299 = vector.shape_cast %get3A_298 : vector<1x16xf32> to vector<16xf32>
        %add3A_300 = arith.addf %scan3A_293, %get3A_299 : vector<16xf32>
        %get3A_301 = arith.index_cast %scan3A_292 : i32 to index
        %get3A_302 = arith.constant 16 : index
        %get3A_303 = tpu.vector_load %arg10[%get3A_301, %get3A_302] {strides = array<i32>} : memref<50x64xf32, #tpu.memory_space<vmem>>, vector<1x16xf32>,
        %get3A_304 = vector.shape_cast %get3A_303 : vector<1x16xf32> to vector<16xf32>
        %add3A_305 = arith.addf %scan3A_294, %get3A_304 : vector<16xf32>
        %get3A_306 = arith.index_cast %scan3A_292 : i32 to index
        %get3A_307 = arith.constant 32 : index
        %get3A_308 = tpu.vector_load %arg10[%get3A_306, %get3A_307] {strides = array<i32>} : memref<50x64xf32, #tpu.memory_space<vmem>>, vector<1x16xf32>,
        %get3A_309 = vector.shape_cast %get3A_308 : vector<1x16xf32> to vector<16xf32>
        %add3A_310 = arith.addf %scan3A_295, %get3A_309 : vector<16xf32>
        %get3A_311 = arith.index_cast %scan3A_292 : i32 to index
        %get3A_312 = arith.constant 48 : index
        %get3A_313 = tpu.vector_load %arg10[%get3A_311, %get3A_312] {strides = array<i32>} : memref<50x64xf32, #tpu.memory_space<vmem>>, vector<1x16xf32>,
        %get3A_314 = vector.shape_cast %get3A_313 : vector<1x16xf32> to vector<16xf32>
        %add3A_315 = arith.addf %scan3A_296, %get3A_314 : vector<16xf32>
        scf.yield %add3A_300, %add3A_305, %add3A_310, %add3A_315 : vector<16xf32>, vector<16xf32>, vector<16xf32>, vector<16xf32>
      }
      %scan3A_142 = arith.constant 50 : i32
      %mul3A_143 = arith.constant 2.000000e-02 : f32
      %mul3A_144 = vector.broadcast %mul3A_143 : f32 to vector<16xf32>
      %mul3A_145 = arith.mulf %scan3A_141#0, %mul3A_144 : vector<16xf32>
      %swap3A_146 = arith.index_cast %add3A_130 : i32 to index
      %swap3A_147 = arith.constant 0 : index
      %swap3A_148 = tpu.vector_load %arg13[%swap3A_146, %swap3A_147] {strides = array<i32>} : memref<128x64xf32, #tpu.memory_space<vmem>>, vector<1x16xf32>,
      %swap3A_149 = vector.shape_cast %swap3A_148 : vector<1x16xf32> to vector<16xf32>
      %swap3A_150 = vector.shape_cast %mul3A_145 : vector<16xf32> to vector<1x16xf32>
      tpu.vector_store %arg13[%swap3A_146, %swap3A_147], %swap3A_150 {strides = array<i32>} : memref<128x64xf32, #tpu.memory_space<vmem>>, vector<1x16xf32>,
      %mul3A_151 = arith.constant 2.000000e-02 : f32
      %mul3A_152 = vector.broadcast %mul3A_151 : f32 to vector<16xf32>
      %mul3A_153 = arith.mulf %scan3A_141#1, %mul3A_152 : vector<16xf32>
      %swap3A_154 = arith.index_cast %add3A_130 : i32 to index
      %swap3A_155 = arith.constant 16 : index
      %swap3A_156 = tpu.vector_load %arg13[%swap3A_154, %swap3A_155] {strides = array<i32>} : memref<128x64xf32, #tpu.memory_space<vmem>>, vector<1x16xf32>,
      %swap3A_157 = vector.shape_cast %swap3A_156 : vector<1x16xf32> to vector<16xf32>
      %swap3A_158 = vector.shape_cast %mul3A_153 : vector<16xf32> to vector<1x16xf32>
      tpu.vector_store %arg13[%swap3A_154, %swap3A_155], %swap3A_158 {strides = array<i32>} : memref<128x64xf32, #tpu.memory_space<vmem>>, vector<1x16xf32>,
      %mul3A_159 = arith.constant 2.000000e-02 : f32
      %mul3A_160 = vector.broadcast %mul3A_159 : f32 to vector<16xf32>
      %mul3A_161 = arith.mulf %scan3A_141#2, %mul3A_160 : vector<16xf32>
      %swap3A_162 = arith.index_cast %add3A_130 : i32 to index
      %swap3A_163 = arith.constant 32 : index
      %swap3A_164 = tpu.vector_load %arg13[%swap3A_162, %swap3A_163] {strides = array<i32>} : memref<128x64xf32, #tpu.memory_space<vmem>>, vector<1x16xf32>,
      %swap3A_165 = vector.shape_cast %swap3A_164 : vector<1x16xf32> to vector<16xf32>
      %swap3A_166 = vector.shape_cast %mul3A_161 : vector<16xf32> to vector<1x16xf32>
      tpu.vector_store %arg13[%swap3A_162, %swap3A_163], %swap3A_166 {strides = array<i32>} : memref<128x64xf32, #tpu.memory_space<vmem>>, vector<1x16xf32>,
      %mul3A_167 = arith.constant 2.000000e-02 : f32
      %mul3A_168 = vector.broadcast %mul3A_167 : f32 to vector<16xf32>
      %mul3A_169 = arith.mulf %scan3A_141#3, %mul3A_168 : vector<16xf32>
      %swap3A_170 = arith.index_cast %add3A_130 : i32 to index
      %swap3A_171 = arith.constant 48 : index
      %swap3A_172 = tpu.vector_load %arg13[%swap3A_170, %swap3A_171] {strides = array<i32>} : memref<128x64xf32, #tpu.memory_space<vmem>>, vector<1x16xf32>,
      %swap3A_173 = vector.shape_cast %swap3A_172 : vector<1x16xf32> to vector<16xf32>
      %swap3A_174 = vector.shape_cast %mul3A_169 : vector<16xf32> to vector<1x16xf32>
      tpu.vector_store %arg13[%swap3A_170, %swap3A_171], %swap3A_174 {strides = array<i32>} : memref<128x64xf32, #tpu.memory_space<vmem>>, vector<1x16xf32>,
      %add3A_175 = arith.constant 4 : i32
      %add3A_176 = arith.addi %add3A_130, %add3A_175 : i32
      %lt3A_177 = arith.constant 128 : i32
      %lt3A_178 = arith.cmpi slt, %add3A_176, %lt3A_177 : i32
      %convert_element_type3A_179 = arith.extui %lt3A_178 : i1 to i32
      %cond3A_180 = arith.constant 0 : i32
      %cond3A_181 = arith.cmpi ne, %convert_element_type3A_179, %cond3A_180 : i32
      scf.if %cond3A_181 {
        %add3A_292 = arith.constant 4 : i32
        %add3A_293 = arith.addi %add3A_130, %add3A_292 : i32
        %dma_start3A_294 = arith.constant 0 : i32
        %dma_start3A_295 = tpu.memref_slice %arg8[%add3A_293, %dma_start3A_294] : memref<128x50xi32, #tpu.memory_space<vmem>> -> memref<1x50xi32, #tpu.memory_space<vmem>>
        %dma_start3A_296 = tpu.memref_squeeze %dma_start3A_295 : memref<1x50xi32, #tpu.memory_space<vmem>> -> memref<50xi32, #tpu.memory_space<vmem>>
        %dma_start3A_297 = arith.constant 0 : i32
        %dma_start3A_298 = arith.constant 0 : i32
        %dma_start3A_299 = tpu.memref_slice %arg4[%dma_start3A_297, %dma_start3A_298] : memref<1048576x64xf32, #tpu.memory_space<hbm>> -> memref<1048576x64xf32, #tpu.memory_space<hbm>>
        tpu.enqueue_indirect_dma source(%dma_start3A_299 : memref<1048576x64xf32, #tpu.memory_space<hbm>>) target(%arg10 : memref<50x64xf32, #tpu.memory_space<vmem>>) offsets(%dma_start3A_296 : memref<50xi32, #tpu.memory_space<vmem>>) semaphore(%arg15 : memref<!tpu.dma_semaphore, #tpu.memory_space<semaphore_mem>>)
      } else {
      }
      %mul3A_182 = arith.constant 4 : i32
      %mul3A_183 = arith.muli %mul3A_182, %scan3A_76 : i32
      %add3A_184 = arith.constant 2 : i32
      %add3A_185 = arith.addi %mul3A_183, %add3A_184 : i32
      %dma_wait3A_186 = arith.constant 0 : i32
      %dma_wait3A_187 = tpu.memref_slice %arg8[%add3A_185, %dma_wait3A_186] : memref<128x50xi32, #tpu.memory_space<vmem>> -> memref<1x50xi32, #tpu.memory_space<vmem>>
      %dma_wait3A_188 = tpu.memref_squeeze %dma_wait3A_187 : memref<1x50xi32, #tpu.memory_space<vmem>> -> memref<50xi32, #tpu.memory_space<vmem>>
      %dma_wait3A_189 = arith.constant 0 : i32
      %dma_wait3A_190 = arith.constant 0 : i32
      %dma_wait3A_191 = tpu.memref_slice %arg4[%dma_wait3A_189, %dma_wait3A_190] : memref<1048576x64xf32, #tpu.memory_space<hbm>> -> memref<1048576x64xf32, #tpu.memory_space<hbm>>
      tpu.wait_indirect_dma semaphore(%arg16 : memref<!tpu.dma_semaphore, #tpu.memory_space<semaphore_mem>>) src(%dma_wait3A_191 : memref<1048576x64xf32, #tpu.memory_space<hbm>>) dst(%arg11 : memref<50x64xf32, #tpu.memory_space<vmem>>)
      %scan3A_192 = arith.constant 0 : i32
      %scan3A_193 = arith.constant 50 : i32
      %scan3A_194 = arith.addi %scan3A_192, %scan3A_193 : i32
      %scan3A_195 = arith.constant 1 : i32
      %scan3A_196:4 = scf.for %scan3A_292 = %scan3A_192 to %scan3A_194 step %scan3A_195 iter_args(%scan3A_293 = %broadcast_in_dim3A_3, %scan3A_294 = %broadcast_in_dim3A_5, %scan3A_295 = %broadcast_in_dim3A_7, %scan3A_296 = %broadcast_in_dim3A_9) -> (vector<16xf32>, vector<16xf32>, vector<16xf32>, vector<16xf32>)  : i32 {
        %get3A = arith.index_cast %scan3A_292 : i32 to index
        %get3A_297 = arith.constant 0 : index
        %get3A_298 = tpu.vector_load %arg11[%get3A, %get3A_297] {strides = array<i32>} : memref<50x64xf32, #tpu.memory_space<vmem>>, vector<1x16xf32>,
        %get3A_299 = vector.shape_cast %get3A_298 : vector<1x16xf32> to vector<16xf32>
        %add3A_300 = arith.addf %scan3A_293, %get3A_299 : vector<16xf32>
        %get3A_301 = arith.index_cast %scan3A_292 : i32 to index
        %get3A_302 = arith.constant 16 : index
        %get3A_303 = tpu.vector_load %arg11[%get3A_301, %get3A_302] {strides = array<i32>} : memref<50x64xf32, #tpu.memory_space<vmem>>, vector<1x16xf32>,
        %get3A_304 = vector.shape_cast %get3A_303 : vector<1x16xf32> to vector<16xf32>
        %add3A_305 = arith.addf %scan3A_294, %get3A_304 : vector<16xf32>
        %get3A_306 = arith.index_cast %scan3A_292 : i32 to index
        %get3A_307 = arith.constant 32 : index
        %get3A_308 = tpu.vector_load %arg11[%get3A_306, %get3A_307] {strides = array<i32>} : memref<50x64xf32, #tpu.memory_space<vmem>>, vector<1x16xf32>,
        %get3A_309 = vector.shape_cast %get3A_308 : vector<1x16xf32> to vector<16xf32>
        %add3A_310 = arith.addf %scan3A_295, %get3A_309 : vector<16xf32>
        %get3A_311 = arith.index_cast %scan3A_292 : i32 to index
        %get3A_312 = arith.constant 48 : index
        %get3A_313 = tpu.vector_load %arg11[%get3A_311, %get3A_312] {strides = array<i32>} : memref<50x64xf32, #tpu.memory_space<vmem>>, vector<1x16xf32>,
        %get3A_314 = vector.shape_cast %get3A_313 : vector<1x16xf32> to vector<16xf32>
        %add3A_315 = arith.addf %scan3A_296, %get3A_314 : vector<16xf32>
        scf.yield %add3A_300, %add3A_305, %add3A_310, %add3A_315 : vector<16xf32>, vector<16xf32>, vector<16xf32>, vector<16xf32>
      }
      %scan3A_197 = arith.constant 50 : i32
      %mul3A_198 = arith.constant 2.000000e-02 : f32
      %mul3A_199 = vector.broadcast %mul3A_198 : f32 to vector<16xf32>
      %mul3A_200 = arith.mulf %scan3A_196#0, %mul3A_199 : vector<16xf32>
      %swap3A_201 = arith.index_cast %add3A_185 : i32 to index
      %swap3A_202 = arith.constant 0 : index
      %swap3A_203 = tpu.vector_load %arg13[%swap3A_201, %swap3A_202] {strides = array<i32>} : memref<128x64xf32, #tpu.memory_space<vmem>>, vector<1x16xf32>,
      %swap3A_204 = vector.shape_cast %swap3A_203 : vector<1x16xf32> to vector<16xf32>
      %swap3A_205 = vector.shape_cast %mul3A_200 : vector<16xf32> to vector<1x16xf32>
      tpu.vector_store %arg13[%swap3A_201, %swap3A_202], %swap3A_205 {strides = array<i32>} : memref<128x64xf32, #tpu.memory_space<vmem>>, vector<1x16xf32>,
      %mul3A_206 = arith.constant 2.000000e-02 : f32
      %mul3A_207 = vector.broadcast %mul3A_206 : f32 to vector<16xf32>
      %mul3A_208 = arith.mulf %scan3A_196#1, %mul3A_207 : vector<16xf32>
      %swap3A_209 = arith.index_cast %add3A_185 : i32 to index
      %swap3A_210 = arith.constant 16 : index
      %swap3A_211 = tpu.vector_load %arg13[%swap3A_209, %swap3A_210] {strides = array<i32>} : memref<128x64xf32, #tpu.memory_space<vmem>>, vector<1x16xf32>,
      %swap3A_212 = vector.shape_cast %swap3A_211 : vector<1x16xf32> to vector<16xf32>
      %swap3A_213 = vector.shape_cast %mul3A_208 : vector<16xf32> to vector<1x16xf32>
      tpu.vector_store %arg13[%swap3A_209, %swap3A_210], %swap3A_213 {strides = array<i32>} : memref<128x64xf32, #tpu.memory_space<vmem>>, vector<1x16xf32>,
      %mul3A_214 = arith.constant 2.000000e-02 : f32
      %mul3A_215 = vector.broadcast %mul3A_214 : f32 to vector<16xf32>
      %mul3A_216 = arith.mulf %scan3A_196#2, %mul3A_215 : vector<16xf32>
      %swap3A_217 = arith.index_cast %add3A_185 : i32 to index
      %swap3A_218 = arith.constant 32 : index
      %swap3A_219 = tpu.vector_load %arg13[%swap3A_217, %swap3A_218] {strides = array<i32>} : memref<128x64xf32, #tpu.memory_space<vmem>>, vector<1x16xf32>,
      %swap3A_220 = vector.shape_cast %swap3A_219 : vector<1x16xf32> to vector<16xf32>
      %swap3A_221 = vector.shape_cast %mul3A_216 : vector<16xf32> to vector<1x16xf32>
      tpu.vector_store %arg13[%swap3A_217, %swap3A_218], %swap3A_221 {strides = array<i32>} : memref<128x64xf32, #tpu.memory_space<vmem>>, vector<1x16xf32>,
      %mul3A_222 = arith.constant 2.000000e-02 : f32
      %mul3A_223 = vector.broadcast %mul3A_222 : f32 to vector<16xf32>
      %mul3A_224 = arith.mulf %scan3A_196#3, %mul3A_223 : vector<16xf32>
      %swap3A_225 = arith.index_cast %add3A_185 : i32 to index
      %swap3A_226 = arith.constant 48 : index
      %swap3A_227 = tpu.vector_load %arg13[%swap3A_225, %swap3A_226] {strides = array<i32>} : memref<128x64xf32, #tpu.memory_space<vmem>>, vector<1x16xf32>,
      %swap3A_228 = vector.shape_cast %swap3A_227 : vector<1x16xf32> to vector<16xf32>
      %swap3A_229 = vector.shape_cast %mul3A_224 : vector<16xf32> to vector<1x16xf32>
      tpu.vector_store %arg13[%swap3A_225, %swap3A_226], %swap3A_229 {strides = array<i32>} : memref<128x64xf32, #tpu.memory_space<vmem>>, vector<1x16xf32>,
      %add3A_230 = arith.constant 4 : i32
      %add3A_231 = arith.addi %add3A_185, %add3A_230 : i32
      %lt3A_232 = arith.constant 128 : i32
      %lt3A_233 = arith.cmpi slt, %add3A_231, %lt3A_232 : i32
      %convert_element_type3A_234 = arith.extui %lt3A_233 : i1 to i32
      %cond3A_235 = arith.constant 0 : i32
      %cond3A_236 = arith.cmpi ne, %convert_element_type3A_234, %cond3A_235 : i32
      scf.if %cond3A_236 {
        %add3A_292 = arith.constant 4 : i32
        %add3A_293 = arith.addi %add3A_185, %add3A_292 : i32
        %dma_start3A_294 = arith.constant 0 : i32
        %dma_start3A_295 = tpu.memref_slice %arg8[%add3A_293, %dma_start3A_294] : memref<128x50xi32, #tpu.memory_space<vmem>> -> memref<1x50xi32, #tpu.memory_space<vmem>>
        %dma_start3A_296 = tpu.memref_squeeze %dma_start3A_295 : memref<1x50xi32, #tpu.memory_space<vmem>> -> memref<50xi32, #tpu.memory_space<vmem>>
        %dma_start3A_297 = arith.constant 0 : i32
        %dma_start3A_298 = arith.constant 0 : i32
        %dma_start3A_299 = tpu.memref_slice %arg4[%dma_start3A_297, %dma_start3A_298] : memref<1048576x64xf32, #tpu.memory_space<hbm>> -> memref<1048576x64xf32, #tpu.memory_space<hbm>>
        tpu.enqueue_indirect_dma source(%dma_start3A_299 : memref<1048576x64xf32, #tpu.memory_space<hbm>>) target(%arg11 : memref<50x64xf32, #tpu.memory_space<vmem>>) offsets(%dma_start3A_296 : memref<50xi32, #tpu.memory_space<vmem>>) semaphore(%arg16 : memref<!tpu.dma_semaphore, #tpu.memory_space<semaphore_mem>>)
      } else {
      }
      %mul3A_237 = arith.constant 4 : i32
      %mul3A_238 = arith.muli %mul3A_237, %scan3A_76 : i32
      %add3A_239 = arith.constant 3 : i32
      %add3A_240 = arith.addi %mul3A_238, %add3A_239 : i32
      %dma_wait3A_241 = arith.constant 0 : i32
      %dma_wait3A_242 = tpu.memref_slice %arg8[%add3A_240, %dma_wait3A_241] : memref<128x50xi32, #tpu.memory_space<vmem>> -> memref<1x50xi32, #tpu.memory_space<vmem>>
      %dma_wait3A_243 = tpu.memref_squeeze %dma_wait3A_242 : memref<1x50xi32, #tpu.memory_space<vmem>> -> memref<50xi32, #tpu.memory_space<vmem>>
      %dma_wait3A_244 = arith.constant 0 : i32
      %dma_wait3A_245 = arith.constant 0 : i32
      %dma_wait3A_246 = tpu.memref_slice %arg4[%dma_wait3A_244, %dma_wait3A_245] : memref<1048576x64xf32, #tpu.memory_space<hbm>> -> memref<1048576x64xf32, #tpu.memory_space<hbm>>
      tpu.wait_indirect_dma semaphore(%arg17 : memref<!tpu.dma_semaphore, #tpu.memory_space<semaphore_mem>>) src(%dma_wait3A_246 : memref<1048576x64xf32, #tpu.memory_space<hbm>>) dst(%arg12 : memref<50x64xf32, #tpu.memory_space<vmem>>)
      %scan3A_247 = arith.constant 0 : i32
      %scan3A_248 = arith.constant 50 : i32
      %scan3A_249 = arith.addi %scan3A_247, %scan3A_248 : i32
      %scan3A_250 = arith.constant 1 : i32
      %scan3A_251:4 = scf.for %scan3A_292 = %scan3A_247 to %scan3A_249 step %scan3A_250 iter_args(%scan3A_293 = %broadcast_in_dim3A_3, %scan3A_294 = %broadcast_in_dim3A_5, %scan3A_295 = %broadcast_in_dim3A_7, %scan3A_296 = %broadcast_in_dim3A_9) -> (vector<16xf32>, vector<16xf32>, vector<16xf32>, vector<16xf32>)  : i32 {
        %get3A = arith.index_cast %scan3A_292 : i32 to index
        %get3A_297 = arith.constant 0 : index
        %get3A_298 = tpu.vector_load %arg12[%get3A, %get3A_297] {strides = array<i32>} : memref<50x64xf32, #tpu.memory_space<vmem>>, vector<1x16xf32>,
        %get3A_299 = vector.shape_cast %get3A_298 : vector<1x16xf32> to vector<16xf32>
        %add3A_300 = arith.addf %scan3A_293, %get3A_299 : vector<16xf32>
        %get3A_301 = arith.index_cast %scan3A_292 : i32 to index
        %get3A_302 = arith.constant 16 : index
        %get3A_303 = tpu.vector_load %arg12[%get3A_301, %get3A_302] {strides = array<i32>} : memref<50x64xf32, #tpu.memory_space<vmem>>, vector<1x16xf32>,
        %get3A_304 = vector.shape_cast %get3A_303 : vector<1x16xf32> to vector<16xf32>
        %add3A_305 = arith.addf %scan3A_294, %get3A_304 : vector<16xf32>
        %get3A_306 = arith.index_cast %scan3A_292 : i32 to index
        %get3A_307 = arith.constant 32 : index
        %get3A_308 = tpu.vector_load %arg12[%get3A_306, %get3A_307] {strides = array<i32>} : memref<50x64xf32, #tpu.memory_space<vmem>>, vector<1x16xf32>,
        %get3A_309 = vector.shape_cast %get3A_308 : vector<1x16xf32> to vector<16xf32>
        %add3A_310 = arith.addf %scan3A_295, %get3A_309 : vector<16xf32>
        %get3A_311 = arith.index_cast %scan3A_292 : i32 to index
        %get3A_312 = arith.constant 48 : index
        %get3A_313 = tpu.vector_load %arg12[%get3A_311, %get3A_312] {strides = array<i32>} : memref<50x64xf32, #tpu.memory_space<vmem>>, vector<1x16xf32>,
        %get3A_314 = vector.shape_cast %get3A_313 : vector<1x16xf32> to vector<16xf32>
        %add3A_315 = arith.addf %scan3A_296, %get3A_314 : vector<16xf32>
        scf.yield %add3A_300, %add3A_305, %add3A_310, %add3A_315 : vector<16xf32>, vector<16xf32>, vector<16xf32>, vector<16xf32>
      }
      %scan3A_252 = arith.constant 50 : i32
      %mul3A_253 = arith.constant 2.000000e-02 : f32
      %mul3A_254 = vector.broadcast %mul3A_253 : f32 to vector<16xf32>
      %mul3A_255 = arith.mulf %scan3A_251#0, %mul3A_254 : vector<16xf32>
      %swap3A_256 = arith.index_cast %add3A_240 : i32 to index
      %swap3A_257 = arith.constant 0 : index
      %swap3A_258 = tpu.vector_load %arg13[%swap3A_256, %swap3A_257] {strides = array<i32>} : memref<128x64xf32, #tpu.memory_space<vmem>>, vector<1x16xf32>,
      %swap3A_259 = vector.shape_cast %swap3A_258 : vector<1x16xf32> to vector<16xf32>
      %swap3A_260 = vector.shape_cast %mul3A_255 : vector<16xf32> to vector<1x16xf32>
      tpu.vector_store %arg13[%swap3A_256, %swap3A_257], %swap3A_260 {strides = array<i32>} : memref<128x64xf32, #tpu.memory_space<vmem>>, vector<1x16xf32>,
      %mul3A_261 = arith.constant 2.000000e-02 : f32
      %mul3A_262 = vector.broadcast %mul3A_261 : f32 to vector<16xf32>
      %mul3A_263 = arith.mulf %scan3A_251#1, %mul3A_262 : vector<16xf32>
      %swap3A_264 = arith.index_cast %add3A_240 : i32 to index
      %swap3A_265 = arith.constant 16 : index
      %swap3A_266 = tpu.vector_load %arg13[%swap3A_264, %swap3A_265] {strides = array<i32>} : memref<128x64xf32, #tpu.memory_space<vmem>>, vector<1x16xf32>,
      %swap3A_267 = vector.shape_cast %swap3A_266 : vector<1x16xf32> to vector<16xf32>
      %swap3A_268 = vector.shape_cast %mul3A_263 : vector<16xf32> to vector<1x16xf32>
      tpu.vector_store %arg13[%swap3A_264, %swap3A_265], %swap3A_268 {strides = array<i32>} : memref<128x64xf32, #tpu.memory_space<vmem>>, vector<1x16xf32>,
      %mul3A_269 = arith.constant 2.000000e-02 : f32
      %mul3A_270 = vector.broadcast %mul3A_269 : f32 to vector<16xf32>
      %mul3A_271 = arith.mulf %scan3A_251#2, %mul3A_270 : vector<16xf32>
      %swap3A_272 = arith.index_cast %add3A_240 : i32 to index
      %swap3A_273 = arith.constant 32 : index
      %swap3A_274 = tpu.vector_load %arg13[%swap3A_272, %swap3A_273] {strides = array<i32>} : memref<128x64xf32, #tpu.memory_space<vmem>>, vector<1x16xf32>,
      %swap3A_275 = vector.shape_cast %swap3A_274 : vector<1x16xf32> to vector<16xf32>
      %swap3A_276 = vector.shape_cast %mul3A_271 : vector<16xf32> to vector<1x16xf32>
      tpu.vector_store %arg13[%swap3A_272, %swap3A_273], %swap3A_276 {strides = array<i32>} : memref<128x64xf32, #tpu.memory_space<vmem>>, vector<1x16xf32>,
      %mul3A_277 = arith.constant 2.000000e-02 : f32
      %mul3A_278 = vector.broadcast %mul3A_277 : f32 to vector<16xf32>
      %mul3A_279 = arith.mulf %scan3A_251#3, %mul3A_278 : vector<16xf32>
      %swap3A_280 = arith.index_cast %add3A_240 : i32 to index
      %swap3A_281 = arith.constant 48 : index
      %swap3A_282 = tpu.vector_load %arg13[%swap3A_280, %swap3A_281] {strides = array<i32>} : memref<128x64xf32, #tpu.memory_space<vmem>>, vector<1x16xf32>,
      %swap3A_283 = vector.shape_cast %swap3A_282 : vector<1x16xf32> to vector<16xf32>
      %swap3A_284 = vector.shape_cast %mul3A_279 : vector<16xf32> to vector<1x16xf32>
      tpu.vector_store %arg13[%swap3A_280, %swap3A_281], %swap3A_284 {strides = array<i32>} : memref<128x64xf32, #tpu.memory_space<vmem>>, vector<1x16xf32>,
      %add3A_285 = arith.constant 4 : i32
      %add3A_286 = arith.addi %add3A_240, %add3A_285 : i32
      %lt3A_287 = arith.constant 128 : i32
      %lt3A_288 = arith.cmpi slt, %add3A_286, %lt3A_287 : i32
      %convert_element_type3A_289 = arith.extui %lt3A_288 : i1 to i32
      %cond3A_290 = arith.constant 0 : i32
      %cond3A_291 = arith.cmpi ne, %convert_element_type3A_289, %cond3A_290 : i32
      scf.if %cond3A_291 {
        %add3A_292 = arith.constant 4 : i32
        %add3A_293 = arith.addi %add3A_240, %add3A_292 : i32
        %dma_start3A_294 = arith.constant 0 : i32
        %dma_start3A_295 = tpu.memref_slice %arg8[%add3A_293, %dma_start3A_294] : memref<128x50xi32, #tpu.memory_space<vmem>> -> memref<1x50xi32, #tpu.memory_space<vmem>>
        %dma_start3A_296 = tpu.memref_squeeze %dma_start3A_295 : memref<1x50xi32, #tpu.memory_space<vmem>> -> memref<50xi32, #tpu.memory_space<vmem>>
        %dma_start3A_297 = arith.constant 0 : i32
        %dma_start3A_298 = arith.constant 0 : i32
        %dma_start3A_299 = tpu.memref_slice %arg4[%dma_start3A_297, %dma_start3A_298] : memref<1048576x64xf32, #tpu.memory_space<hbm>> -> memref<1048576x64xf32, #tpu.memory_space<hbm>>
        tpu.enqueue_indirect_dma source(%dma_start3A_299 : memref<1048576x64xf32, #tpu.memory_space<hbm>>) target(%arg12 : memref<50x64xf32, #tpu.memory_space<vmem>>) offsets(%dma_start3A_296 : memref<50xi32, #tpu.memory_space<vmem>>) semaphore(%arg17 : memref<!tpu.dma_semaphore, #tpu.memory_space<semaphore_mem>>)
      } else {
      }
    }
    %scan3A_75 = arith.constant 32 : i32
    "tpu.region"() ({
      %run_scoped3A = tpu.sem_alloc : memref<!tpu.dma_semaphore, #tpu.memory_space<semaphore_mem>>
      %dma_start3A_76 = arith.constant 0 : i32
      %dma_start3A_77 = tpu.memref_slice %arg6[%mul3A_2, %dma_start3A_76] : memref<4096x64xf32, #tpu.memory_space<hbm>> -> memref<128x64xf32, #tpu.memory_space<hbm>>
      %dma_start3A_78 = arith.constant 0 : i32
      %dma_start3A_79 = tpu.memref_slice %arg6[%mul3A_2, %dma_start3A_78] : memref<4096x64xf32, #tpu.memory_space<hbm>> -> memref<128x64xf32, #tpu.memory_space<hbm>>
      tpu.enqueue_dma source(%arg13 : memref<128x64xf32, #tpu.memory_space<vmem>>) target(%dma_start3A_79 : memref<128x64xf32, #tpu.memory_space<hbm>>) target_semaphore(%run_scoped3A : memref<!tpu.dma_semaphore, #tpu.memory_space<semaphore_mem>>)
      %dma_wait3A = arith.constant 0 : i32
      %dma_wait3A_80 = tpu.memref_slice %arg6[%mul3A_2, %dma_wait3A] : memref<4096x64xf32, #tpu.memory_space<hbm>> -> memref<128x64xf32, #tpu.memory_space<hbm>>
      %dma_wait3A_81 = arith.constant 0 : i32
      %dma_wait3A_82 = tpu.memref_slice %arg6[%mul3A_2, %dma_wait3A_81] : memref<4096x64xf32, #tpu.memory_space<hbm>> -> memref<128x64xf32, #tpu.memory_space<hbm>>
      tpu.wait_dma2 semaphore(%run_scoped3A : memref<!tpu.dma_semaphore, #tpu.memory_space<semaphore_mem>>) src(%arg13 : memref<128x64xf32, #tpu.memory_space<vmem>>) dst(%dma_wait3A_82 : memref<128x64xf32, #tpu.memory_space<hbm>>)
      tpu.yield
    }) : () -> ()
    return
  }
}

module attributes {stable_mosaic.version = 14 : i64} {
  func.func @_repack_body(%arg0: i32, %arg1: memref<64x16384xf32, #tpu.memory_space<vmem>>, %arg2: memref<64x16384xf32, #tpu.memory_space<vmem>>, %arg3: memref<16384x128xf32, #tpu.memory_space<vmem>>) attributes {dimension_semantics = [#tpu.dimension_semantics<arbitrary>], iteration_bounds = array<i64: 32>, scalar_prefetch = 0 : i64, scratch_operands = 0 : i64, tpu.core_type = #tpu.core_type<tc>, window_params = [{transform_indices = @transform_0, window_bounds = array<i64: 64, 16384>}, {transform_indices = @transform_1, window_bounds = array<i64: 64, 16384>}, {transform_indices = @transform_2, window_bounds = array<i64: 16384, 128>}]} {
    %get3A = arith.constant 0 : index
    %get3A_0 = arith.constant 0 : index
    %get3A_1 = vector.load %arg1[%get3A, %get3A_0] : memref<64x16384xf32, #tpu.memory_space<vmem>>, vector<64x16384xf32>
    %transpose3A = tpu.transpose %get3A_1, [1, 0] : vector<64x16384xf32> -> vector<16384x64xf32>
    %swap3A = arith.constant 0 : index
    %swap3A_2 = arith.constant 0 : index
    %swap3A_3 = vector.load %arg3[%swap3A, %swap3A_2] : memref<16384x128xf32, #tpu.memory_space<vmem>>, vector<16384x64xf32>
    tpu.vector_store %arg3[%swap3A, %swap3A_2], %transpose3A {strides = array<i32>} : memref<16384x128xf32, #tpu.memory_space<vmem>>, vector<16384x64xf32>,
    %get3A_4 = arith.constant 0 : index
    %get3A_5 = arith.constant 0 : index
    %get3A_6 = vector.load %arg2[%get3A_4, %get3A_5] : memref<64x16384xf32, #tpu.memory_space<vmem>>, vector<64x16384xf32>
    %transpose3A_7 = tpu.transpose %get3A_6, [1, 0] : vector<64x16384xf32> -> vector<16384x64xf32>
    %swap3A_8 = arith.constant 0 : index
    %swap3A_9 = arith.constant 64 : index
    %swap3A_10 = vector.load %arg3[%swap3A_8, %swap3A_9] : memref<16384x128xf32, #tpu.memory_space<vmem>>, vector<16384x64xf32>
    tpu.vector_store %arg3[%swap3A_8, %swap3A_9], %transpose3A_7 {strides = array<i32>} : memref<16384x128xf32, #tpu.memory_space<vmem>>, vector<16384x64xf32>,
    return
  }
  func.func @transform_0(%arg0: i32) -> (i32, i32) {
    %c0_i32 = arith.constant 0 : i32
    %c0_i32_0 = arith.constant 0 : i32
    return %c0_i32, %arg0 : i32, i32
  }
  func.func @transform_1(%arg0: i32) -> (i32, i32) {
    %add3A = arith.constant 32 : i32
    %add3A_0 = arith.addi %arg0, %add3A : i32
    %min3A = arith.constant 61 : i32
    %min3A_1 = arith.minsi %add3A_0, %min3A : i32
    %c0_i32 = arith.constant 0 : i32
    %c0_i32_2 = arith.constant 0 : i32
    return %c0_i32, %min3A_1 : i32, i32
  }
  func.func @transform_2(%arg0: i32) -> (i32, i32) {
    %c0_i32 = arith.constant 0 : i32
    %c0_i32_0 = arith.constant 0 : i32
    return %arg0, %c0_i32 : i32, i32
  }
}

module attributes {stable_mosaic.version = 14 : i64} {
  func.func @_linear_body(%arg0: i32, %arg1: memref<512x64xf32, #tpu.memory_space<vmem>>, %arg2: memref<512x64xf32, #tpu.memory_space<vmem>>, %arg3: memref<128x128xf32, #tpu.memory_space<vmem>>, %arg4: memref<1x128xf32, #tpu.memory_space<vmem>>, %arg5: memref<512x128xf32, #tpu.memory_space<vmem>>) attributes {dimension_semantics = [#tpu.dimension_semantics<arbitrary>], iteration_bounds = array<i64: 8>, scalar_prefetch = 0 : i64, scratch_operands = 0 : i64, tpu.core_type = #tpu.core_type<tc>, window_params = [{transform_indices = @transform_0, window_bounds = array<i64: 512, 64>}, {transform_indices = @transform_1, window_bounds = array<i64: 512, 64>}, {pipeline_mode = #tpu.pipeline_mode<synchronous>, transform_indices = @transform_2, window_bounds = array<i64: 128, 128>}, {pipeline_mode = #tpu.pipeline_mode<synchronous>, transform_indices = @transform_3, window_bounds = array<i64: 1, 128>}, {transform_indices = @transform_4, window_bounds = array<i64: 512, 128>}]} {
    %get3A = arith.constant 0 : index
    %get3A_0 = arith.constant 0 : index
    %get3A_1 = vector.load %arg1[%get3A, %get3A_0] : memref<512x64xf32, #tpu.memory_space<vmem>>, vector<512x64xf32>
    %get3A_2 = arith.constant 0 : index
    %get3A_3 = arith.constant 0 : index
    %get3A_4 = vector.load %arg3[%get3A_2, %get3A_3] : memref<128x128xf32, #tpu.memory_space<vmem>>, vector<64x128xf32>
    %dot_general3A = arith.constant dense<0.000000e+00> : vector<512x128xf32>
    %dot_general3A_5 = tpu.matmul %get3A_1, %get3A_4, %dot_general3A {dimension_numbers = #tpu.dot_dimension_numbers<[1], [0], [0], [1], [0, 0, 1, 1], [], []>, transpose_lhs_hint = false} : vector<512x64xf32>, vector<64x128xf32>, vector<512x128xf32> -> vector<512x128xf32>
    %get3A_6 = arith.constant 0 : index
    %get3A_7 = arith.constant 0 : index
    %get3A_8 = vector.load %arg2[%get3A_6, %get3A_7] : memref<512x64xf32, #tpu.memory_space<vmem>>, vector<512x64xf32>
    %get3A_9 = arith.constant 64 : index
    %get3A_10 = arith.constant 0 : index
    %get3A_11 = vector.load %arg3[%get3A_9, %get3A_10] : memref<128x128xf32, #tpu.memory_space<vmem>>, vector<64x128xf32>
    %dot_general3A_12 = arith.constant dense<0.000000e+00> : vector<512x128xf32>
    %dot_general3A_13 = tpu.matmul %get3A_8, %get3A_11, %dot_general3A_12 {dimension_numbers = #tpu.dot_dimension_numbers<[1], [0], [0], [1], [0, 0, 1, 1], [], []>, transpose_lhs_hint = false} : vector<512x64xf32>, vector<64x128xf32>, vector<512x128xf32> -> vector<512x128xf32>
    %add3A = arith.addf %dot_general3A_5, %dot_general3A_13 : vector<512x128xf32>
    %get3A_14 = arith.constant 0 : index
    %get3A_15 = arith.constant 0 : index
    %get3A_16 = vector.load %arg4[%get3A_14, %get3A_15] : memref<1x128xf32, #tpu.memory_space<vmem>>, vector<1x128xf32>
    %add3A_17 = vector.broadcast %get3A_16 : vector<1x128xf32> to vector<512x128xf32>
    %add3A_18 = arith.addf %add3A, %add3A_17 : vector<512x128xf32>
    %swap3A = arith.constant 0 : index
    %swap3A_19 = arith.constant 0 : index
    %swap3A_20 = vector.load %arg5[%swap3A, %swap3A_19] : memref<512x128xf32, #tpu.memory_space<vmem>>, vector<512x128xf32>
    tpu.vector_store %arg5[%swap3A, %swap3A_19], %add3A_18 {strides = array<i32>} : memref<512x128xf32, #tpu.memory_space<vmem>>, vector<512x128xf32>,
    return
  }
  func.func @transform_0(%arg0: i32) -> (i32, i32) {
    %c0_i32 = arith.constant 0 : i32
    %c0_i32_0 = arith.constant 0 : i32
    return %arg0, %c0_i32 : i32, i32
  }
  func.func @transform_1(%arg0: i32) -> (i32, i32) {
    %c0_i32 = arith.constant 0 : i32
    %c0_i32_0 = arith.constant 0 : i32
    return %arg0, %c0_i32 : i32, i32
  }
  func.func @transform_2(%arg0: i32) -> (i32, i32) {
    %c0_i32 = arith.constant 0 : i32
    %c0_i32_0 = arith.constant 0 : i32
    %c0_i32_1 = arith.constant 0 : i32
    return %c0_i32, %c0_i32_0 : i32, i32
  }
  func.func @transform_3(%arg0: i32) -> (i32, i32) {
    %c0_i32 = arith.constant 0 : i32
    %c0_i32_0 = arith.constant 0 : i32
    %c0_i32_1 = arith.constant 0 : i32
    return %c0_i32, %c0_i32_0 : i32, i32
  }
  func.func @transform_4(%arg0: i32) -> (i32, i32) {
    %c0_i32 = arith.constant 0 : i32
    %c0_i32_0 = arith.constant 0 : i32
    return %arg0, %c0_i32 : i32, i32
  }
}

</mosaic_0001>

<sc_bundles>
// kernel: kernel.5.cloned.1.call-start
scs
__scs_entry_jumppad:
0x0: {  	(pc) =	sbr.rel $0x88, $3  }
0x1: {  	(tag) =	ssettag $0x0;
	lr =	simm.s32 $0x1  }
0x2: {  	[smem:$0x3F9C] =	sst lr;
	_ =	strace $0xD0000000  }
0x3: {  	_ = 	snop  }
0x4: {  	_ = 	snop  }
0x5: {  	_ = 	snop  }
0x6: {  	_ = 	snop  }
0x7: {  	_ = 	snop  }
__scs_overlays_trampoline_lowered:
0x8: {  	[smem:$0x3FAB] =	sst s0  }
0x9: {  	[smem:$0x3FAC] =	sst s1  }
0xa: {  	[smem:$0x3FAD] =	sst s2  }
0xb: {  	[smem:$0x3FAE] =	sst s3  }
0xc: {  	[smem:$0x3FAF] =	sst s4  }
0xd: {  	[smem:$0x3FB0] =	sst s5  }
0xe: {  	[smem:$0x3FB1] =	sst s6  }
0xf: {  	[smem:$0x3FB2] =	sst s7  }
0x10: {  	[smem:$0x3FB3] =	sst s8  }
0x11: {  	[smem:$0x3FB4] =	sst s9;
	s0 =	simm.s32 @!p0 $0x0  }
0x12: {  	s1 =	sld [smem:$0x3F9A];
	s0 =	simm.s32 @p0 $0x1  }
0x13: {  	[smem:$0x3FB5] =	sst s0;
	s0 =	simm.s32 @!p1 $0x0  }
0x14: {  	s2 =	sld [smem:$0x3F99];
	s0 =	simm.s32 @p1 $0x1  }
0x15: {  	[smem:$0x3FB6] =	sst s0;
	s0 =	simm.s32 @!p2 $0x0  }
0x16: {  	s3 =	sld [smem:$0x3FDB];
	s0 =	simm.s32 @p2 $0x1  }
0x17: {  	s4 =	simm.s32 $0x1BF5;
	[smem:$0x3FB8] =	sst s0  }
0x18: {  	s0 =	sld [smem:$0x3F9B];
	_ =	swait.ge [sflag:s4], $0x0  }
0x19: {  	s7 =	sld [smem:$0x3F9C]  }
0x1a: {  	s8 =	sadd.s32 $0xFFFFE003, lr  }
0x1b: {  	s9 =	sadd.s32 $0xFFFFFEF7, lr;
	s5 =	simm.s32 $0xFFFFFFFF;
	p2 =	slt.u32 s8, $0xFFFFF086  }
0x1c: {  	p1 =	slt.u32 s9, $0xF7A;
	s5 =	simm.s32 @!p2 $0x0  }
0x1d: {  	s5 =	simm.s32 @p1 $0x1;
	p0 =	seq.s32 s7, s2  }
0x1e: {  	s7 =	smul.u32 @!p0 $0xF7A, s2;
	p2 =	seq.s32 @!p0 s5, $0x0  }
0x1f: {  	s9 =	smul.u32 $0xF7A, s1;
	s8 =	simm.s32 @!p0 $0x1BF5;
	p2 =	por !p2, p0  }
0x20: {  	[sflag:s8] =	ssyncset.s32 @!p0 $0xFFFFF086;
	s6 =	sadd.s32 @!p0 s3, s7;
	s7 =	simm.s32 @!p0 $0x108  }
0x21: {  	s3 =	sadd.s32 s3, s9;
	s6 =	sadd.s32 @!p0 $0x88, s6;
	s7 =	simm.s32 @p2 $0x1082  }
0x22: {  	[simem:s7], [sflag:s8] =	dma.local @!p0 [hbm:s6], $0xF7A  }
0x23: {  	s9 =	sor.u32 $0xD0000000, s2;
	s6 =	simm.s32 $0x108;
	_ =	swait.ge @!p0 [sflag:s8], $0x0  }
0x24: {  	s3 =	sadd.s32 $0x88, s3;
	s6 =	simm.s32 @!p1 $0x1082;
	[sflag:s4] =	ssyncset.s32 $0xFFFFF086  }
0x25: {  	[simem:s6], [sflag:s4] =	dma.local [hbm:s3], $0xF7A  }
0x26: {  	[smem:$0x3F9C] =	sst s1;
	(tag) =	ssettag s2;
	_ =	strace s9  }
0x27: {  	s1 =	sld [smem:$0x3FAC]  }
0x28: {  	s2 =	sld [smem:$0x3FAD]  }
0x29: {  	s4 =	sld [smem:$0x3FAF]  }
0x2a: {  	p0 =	seq.s32 s5, $0x0;
	s5 =	sld [smem:$0x3FB0]  }
0x2b: {  	s6 =	sld [smem:$0x3FB1]  }
0x2c: {  	s7 =	sld [smem:$0x3FB2]  }
0x2d: {  	s3 =	simm.s32 $0x108;
	s8 =	sld [smem:$0x3FB3]  }
0x2e: {  	s3 =	simm.s32 @!p0 $0x1082;
	s9 =	sld [smem:$0x3FB4]  }
0x2f: {  	lr =	sadd.s32 s0, s3;
	s0 =	sld [smem:$0x3FAB]  }
0x30: {  	s3 =	sld [smem:$0x3FAE]  }
0x31: {  	[smem:$0x3FB7] =	sst s10  }
0x32: {  	s10 =	sld [smem:$0x3FB5];
	_ =	sdelay $0x3  }
0x33: {  	p0 =	seq.s32 s10, $0x1;
	s10 =	sld [smem:$0x3FB7];
	_ =	sdelay $0x3  }
0x34: {  	[smem:$0x3FB7] =	sst s10  }
0x35: {  	s10 =	sld [smem:$0x3FB6];
	_ =	sdelay $0x3  }
0x36: {  	p1 =	seq.s32 s10, $0x1;
	s10 =	sld [smem:$0x3FB7];
	_ =	sdelay $0x3  }
0x37: {  	[smem:$0x3FB7] =	sst s10  }
0x38: {  	s10 =	sld [smem:$0x3FB8]  }
0x39: {  	_ = 	snop;
	(pc) =	sbr.ind lr, $3  }
0x3a: {  	_ = 	snop  }
0x3b: {  	_ = 	snop  }
0x3c: {  	p2 =	seq.s32 s10, $0x1;
	s10 =	sld [smem:$0x3FB7]  }
0x3d: {  	_ =	shalt  }
0x3e: {  	_ =	shalt  }
0x3f: {  	_ =	shalt  }
0x40: {  	_ =	shalt  }
0x41: {  	_ =	shalt  }
0x42: {  	_ =	shalt  }
0x43: {  	_ =	shalt  }
0x44: {  	_ =	shalt  }
0x45: {  	_ =	shalt  }
0x46: {  	_ =	shalt  }
0x47: {  	_ =	shalt  }
0x48: {  	_ =	shalt  }
0x49: {  	_ =	shalt  }
0x4a: {  	_ =	shalt  }
0x4b: {  	_ =	shalt  }
0x4c: {  	_ =	shalt  }
0x4d: {  	_ =	shalt  }
0x4e: {  	_ =	shalt  }
0x4f: {  	_ =	shalt  }
0x50: {  	_ =	shalt  }
0x51: {  	_ =	shalt  }
0x52: {  	_ =	shalt  }
0x53: {  	_ =	shalt  }
0x54: {  	_ =	shalt  }
0x55: {  	_ =	shalt  }
0x56: {  	_ =	shalt  }
0x57: {  	_ =	shalt  }
0x58: {  	_ =	shalt  }
0x59: {  	_ =	shalt  }
0x5a: {  	_ =	shalt  }
0x5b: {  	_ =	shalt  }
0x5c: {  	_ =	shalt  }
0x5d: {  	_ =	shalt  }
0x5e: {  	_ =	shalt  }
0x5f: {  	_ =	shalt  }
0x60: {  	_ =	shalt  }
0x61: {  	_ =	shalt  }
0x62: {  	_ =	shalt  }
0x63: {  	_ =	shalt  }
0x64: {  	_ =	shalt  }
0x65: {  	_ =	shalt  }
0x66: {  	_ =	shalt  }
0x67: {  	_ =	shalt  }
0x68: {  	_ =	shalt  }
0x69: {  	_ =	shalt  }
0x6a: {  	_ =	shalt  }
0x6b: {  	_ =	shalt  }
0x6c: {  	_ =	shalt  }
0x6d: {  	_ =	shalt  }
0x6e: {  	_ =	shalt  }
0x6f: {  	_ =	shalt  }
0x70: {  	_ =	shalt  }
0x71: {  	_ =	shalt  }
0x72: {  	_ =	shalt  }
0x73: {  	_ =	shalt  }
0x74: {  	_ =	shalt  }
0x75: {  	_ =	shalt  }
0x76: {  	_ =	shalt  }
0x77: {  	_ =	shalt  }
0x78: {  	_ =	shalt  }
0x79: {  	_ =	shalt  }
0x7a: {  	_ =	shalt  }
0x7b: {  	_ =	shalt  }
0x7c: {  	_ =	shalt  }
0x7d: {  	_ =	shalt  }
0x7e: {  	_ =	shalt  }
0x7f: {  	_ =	shalt  }
0x80: {  	_ =	shalt  }
0x81: {  	_ =	shalt  }
0x82: {  	_ =	shalt  }
0x83: {  	_ =	shalt  }
0x84: {  	_ =	shalt  }
0x85: {  	_ =	shalt  }
0x86: {  	_ =	shalt  }
0x87: {  	_ =	shalt  }
.Lfunc_end0:
.L_simem_size_0:
called_computation_lowered:
.L_overlay_start_0:
0x88: {  	s2 =	sld [smem:$0x3FD9]  }
0x89: {  	s3 =	sld [smem:$0x3FFE];
	_ =	sdelay $0x1  }
0x8a: {  	s1 =	srdreg.scid  }
0x8b: {  	s0 =	sand.u32 $0x1, s1  }
0x8c: {  	s16 =	sshll.u32 s0, $0xA;
	s2 =	sadd.s32 s3, s2  }
0x8d: {  	s2 =	sadd.s32 s2, s16  }
0x8e: {  	[smem:$0x3FC3] =	sst s2  }
0x8f: {  	_ = 	snop  }
0x90: {  	(tm) =	ssettm $0x1  }
0x91: {  	s17 =	sld [smem:$0x3FFB];
	_ =	sdelay $0x3  }
0x92: {  	_ =	strace s17  }
0x93: {  	s2 =	sld [smem:$0x3FFC];
	_ =	sdelay $0x3  }
0x94: {  	_ =	strace s2  }
0x95: {  	s2 =	sld [smem:$0x3FFD];
	_ =	sdelay $0x3  }
0x96: {  	_ =	strace s2  }
0x97: {  	_ =	strace $0x8FFFFFFF  }
0x98: {  	s18 =	sld [smem:$0x3FDB];
	_ =	sdelay $0x1  }
0x99: {  	s19 =	simm.s32 $_scs_section_size  }
0x9a: {  	s4 =	simm.s32 $_size__tile_overlayer_lowered;
	s5 =	simm.s32 $_tile_overlayer_lowered  }
0x9b: {  	s22 =	simm.s32 $0x1BFF;
	s21 =	sshll.u32 s5, $0x1;
	s2 =	sadd.s32 s19, s18  }
0x9c: {  	s6 =	simm.s32 $0x0;
	s20 =	sshll.u32 s4, $0x1;
	s4 =	sadd.s32 s21, s2  }
0x9d: {  	[timem:s6], [sflag:s22] =	dma.local [hbm:s4], s20  }
0x9e: {  	_ =	swait.ge [sflag:s22], s20  }
0x9f: {  	s3 =	ssub.s32 $0x0, s20;
	[sflag:s22] =	ssyncset.done $0x0  }
0xa0: {  	[sflag:s22] =	ssyncadd.s32 s3;
	_ =	sdelay $0x1  }
0xa1: {  	s23 =	simm.s32 $0x1B8B  }
0xa2: {  	_ =	swait.ge [sflag:s23], $0x1  }
0xa3: {  	[sflag:s23] =	ssyncset.done $0x0  }
0xa4: {  	s25 =	simm.s32 $0x1B8E;
	s24 =	sld [smem:$0x3FFE];
	[sflag:s23] =	ssyncadd.s32 $0xFFFFFFFF  }
0xa5: {  	s26 =	simm.s32 $execute0_lowered;
	[smem:$0x3FD2] =	sst s25  }
0xa6: {  	s4 =	sshll.u32 s26, $0x1;
	_ =	strace $0x80000046;
	[dreg:$0x1] =	wrdreg $0xFFFFFFFF  }
0xa7: {  	s28 =	simm.s32 $_size_execute0_lowered;
	s2 =	sadd.s32 s2, s4;
	[dreg:$0x0] =	wrdreg $0x0  }
0xa8: {  	s4 =	sshll.u32 s28, $0x1;
	[dreg:$0x2] =	wrdreg s2  }
0xa9: {  	[dreg:$0x3] =	wrdreg s4  }
0xaa: {  	[dreg:$0x4] =	wrdreg $0xC0  }
0xab: {  	_ =	task [dreg:s6], $0x5FFFF  }
0xac: {  	[dreg:$0x1] =	wrdreg $0xFFFFFFFF  }
0xad: {  	[dreg:$0x0] =	wrdreg $0x60  }
0xae: {  	[dreg:$0x2] =	wrdreg s24  }
0xaf: {  	[dreg:$0x3] =	wrdreg $0x9  }
0xb0: {  	_ =	task.clear_ibuf [dreg:s6], $0x4FFFF;
	_ =	strace $0x90000046  }
0xb1: {  	s29 =	simm.s32 $0x9;
	_ =	strace $0x80000048  }
0xb2: {  	_ =	swait.ge [sflag:s29], $0x1  }
0xb3: {  	[sflag:s29] =	ssyncadd.s32 $0xFFFFFFFF  }
0xb4: {  	_ =	strace $0x90000048  }
0xb5: {  	_ =	sfence  }
0xb6: {  	s30 =	sld [smem:$0x0];
	_ =	sdelay $0x2  }
0xb7: {  	s31 =	sshll.u32 s1, $0xD;
	s1 =	sshrl.u32 s1, $0x2  }
0xb8: {  	s3 =	sand.u32 $0x4000, s31;
	s1 =	sadd.s32 s1, s30  }
0xb9: {  	s0 =	sor.u32 s3, s0;
	s1 =	sshll.u32 s1, $0x11  }
0xba: {  	s0 =	sor.u32 s1, s0  }
0xbb: {  	s0 =	sadd.s32 $0x8F2B, s0  }
0xbc: {  	[sflag:s0] =	ssyncadd.remote.s32 $0x1  }
0xbd: {  	_ =	sfence.sel $0xFFFF  }
0xbe: {  	[dreg:$0x0] =	wrdreg $0xFFFFFFFF;
	(pc) =	sbr.abs _section_cstart, $3  }
0xbf: {  	[dreg:$0x1] =	wrdreg $0xFFFFFFFF  }
0xc0: {  	_ =	task.clear_ibuf [dreg:s6], $0x2FFFF;
	_ =	strace $0x9FFFFFFF  }
0xc1: {  	(tm) =	ssettm $0x7FFFFFFF  }
tec
execute0_lowered:
.L_overlay_start_1:
0x0: {  	(tag) =	ssettag $0x1  }
0x1: {  	s1 =	srdreg.scid  }
0x2: {  	s0 =	stileid.u32;
	s4 =	rddreg [dreg:$0x0]  }
0x3: {  	s2 =	simm.s32 $0x0;
	s9 =	simm.s32 $0x5;
	s10 =	simm.s32 $0x1C00  }
0x4: {  	s11 =	simm.s32 $0x32;
	s12 =	simm.s32 $0x3800;
	s14 =	simm.s32 $0x4480  }
0x5: {  	s15 =	simm.s32 $0x70;
	s16 =	simm.s32 $0x5100;
	s17 =	simm.s32 $0xA8  }
0x6: {  	s18 =	simm.s32 $0x5D80;
	s19 =	simm.s32 $0x1;
	s20 =	simm.s32 $0x2  }
0x7: {  	s21 =	simm.s32 $0x3;
	s22 =	simm.s32 $0x4;
	s23 =	simm.s32 $0x6A00  }
0x8: {  	s24 =	simm.s32 $0x1C38;
	s25 =	simm.s32 $0x1C70;
	s26 =	simm.s32 $0x1CA8  }
0x9: {  	s28 =	simm.s32 $0x0;
	s1 =	sand.u32 $0x1, s1;
	[smem:$0x7FF] =	sst s2  }
0xa: {  	s3 =	sshll.u32 s0, $0x8;
	s5 =	sshll.u32 s1, $0x7;
	_ =	strace $0x80000047  }
.Ltmp0:
0xb: {  	s1 =	ssub.s32 $0x2, s1;
	s3 =	sor.u32 s5, s3;
	(pc) =	sbr.rel .LBB2_1-.Ltmp0, $4  }
0xc: {  	s7 =	sshrl.u32 s1, $0x1;
	s5 =	smul.u32 $0x7, s3;
	s6 =	sshll.u32 s3, $0x3  }
0xd: {  	s3 =	sadd.s32 $0xEC00, s4;
	s1 =	ssub.s32 s1, s7;
	s8 =	sadd.s32 s6, s4  }
0xe: {  	s5 =	sadd.s32 s5, s4;
	s6 =	sadd.s32 $0x80EC00, s8;
	s7 =	sadd.s32 $0x816C00, s8  }
0xf: {  	s8 =	smax.u32 s1, $0x1;
	s4 =	sadd.s32 $0xC00, s5;
	s5 =	sadd.s32 $0x7C00, s5  }
.LBB2_23:
0x10: {  	s28 =	sadd.s32 $0x1, s28  }
0x11: {  	p0 =	sne.s32 s28, s8  }
.Ltmp1:
0x12: {  	_ = 	snop;
	(pc) =	sbr.rel @!p0 .LBB2_24-.Ltmp1, $4  }
0x13: {  	[hbm4b:s7+s2] =	stream.linear.scatter [tilespmem:s23], [sflag:$0x5], $0x2000, $0x38;
	[tilespmem:$0x8A00] =	vst v63  }
0x14: {  	_ =	swait.ge [sflag:s9], $0x2000  }
0x15: {  	[sflag:s9] =	ssyncset.done $0x0  }
0x16: {  	[sflag:s9] =	ssyncadd.s32 $0xFFFFE000  }
.LBB2_1:
0x17: {  	[tilespmem:s2], [sflag:$0x5] =	stream.linear.gather [hbm4b:s4+s2], $0x1C00, $0x38;
	[tilespmem:$0x8A00] =	vst v63  }
0x18: {  	_ =	swait.ge [sflag:s9], $0x1C00  }
0x19: {  	[sflag:s9] =	ssyncset.done $0x0  }
0x1a: {  	[sflag:s9] =	ssyncadd.s32 $0xFFFFE400  }
0x1b: {  	[tilespmem:s10], [sflag:$0x5] =	stream.linear.gather [hbm4b:s5+s2], $0x1C00, $0x38;
	[tilespmem:$0x8A00] =	vst v63  }
0x1c: {  	_ =	swait.ge [sflag:s9], $0x1C00  }
0x1d: {  	[sflag:s9] =	ssyncset.done $0x0  }
0x1e: {  	[sflag:s9] =	ssyncadd.s32 $0xFFFFE400  }
0x1f: {  	[tilespmem:s12], [sflag:$0x1] =	stream.indirect.gather [hbm4b:s3+s11], $0x40, s2, s11, $0xb8;
	[tilespmem:$0x8A00] =	vst v63  }
0x20: {  	s0 =	simm.s32 $0x38  }
0x21: {  	[tilespmem:s14], [sflag:$0x2] =	stream.indirect.gather [hbm4b:s3+s11], $0x40, s0, s11, $0xb8;
	[tilespmem:$0x8A00] =	vst v63  }
0x22: {  	_ = 	snop  }
0x23: {  	[tilespmem:s16], [sflag:$0x3] =	stream.indirect.gather [hbm4b:s3+s11], $0x40, s15, s11, $0xb8;
	[tilespmem:$0x8A00] =	vst v63  }
0x24: {  	s29 =	simm.s32 $0x0  }
0x25: {  	[tilespmem:s18], [sflag:$0x4] =	stream.indirect.gather [hbm4b:s3+s11], $0x40, s17, s11, $0xb8;
	[tilespmem:$0x8A00] =	vst v63  }
.LBB2_2:
0x26: {  	_ =	swait.ge [sflag:s19], $0xC80  }
0x27: {  	[sflag:s19] =	ssyncset.done $0x0  }
0x28: {  	s1 =	simm.s32 $0x0;
	[sflag:s19] =	ssyncadd.s32 $0xFFFFF380  }
0x29: {  	v1 =	vld [tilespmem:s1+$0x3830]  }
0x2a: {  	v2 =	vld [tilespmem:s1+$0x3800]  }
0x2b: {  	v0 =	vimm.f32 $0.0e+00;
	v3 =	vld [tilespmem:s1+$0x3810]  }
0x2c: {  	s30 =	simm.s32 $0x100;
	v5 =	vimm.f32 $0.0e+00;
	v6 =	vimm.f32 $0.0e+00;
	v7 =	vimm.f32 $0.0e+00;
	v4 =	vld [tilespmem:s1+$0x3820]  }
.LBB2_3:
0x2d: {  	p0 =	sne.s32 s30, $0x3100  }
.Ltmp2:
0x2e: {  	s1 =	sshra.s32 s30, $0x2;
	s30 =	sadd.s32 $0x100, s30;
	v0 =	vadd.f32 v1, v0;
	(pc) =	sbr.rel @p0 .LBB2_3-.Ltmp2, $4  }
0x2f: {  	v1 =	vld [tilespmem:s1+$0x3830];
	v5 =	vadd.f32 v2, v5  }
0x30: {  	v2 =	vld [tilespmem:s1+$0x3800];
	v6 =	vadd.f32 v3, v6  }
0x31: {  	v3 =	vld [tilespmem:s1+$0x3810];
	v7 =	vadd.f32 v4, v7  }
0x32: {  	v4 =	vld [tilespmem:s1+$0x3820]  }
0x33: {  	_ = 	snop  }
0x34: {  	v0 =	vadd.f32 v1, v0  }
0x35: {  	v2 =	vadd.f32 v2, v5  }
0x36: {  	s1 =	sshll.u32 s29, $0x8;
	v3 =	vadd.f32 v3, v6;
	v0 =	vmul.f32 $1.999999960e-02, v0  }
0x37: {  	p0 =	seq.s32 s29, $0x1F;
	s30 =	sand.u32 $0x3FFFFF00, s1;
	v4 =	vadd.f32 v4, v7;
	v2 =	vmul.f32 $1.999999960e-02, v2  }
0x38: {  	s1 =	smul.u32 @!p0 $0x380, s29;
	v1 =	vmul.f32 $1.999999960e-02, v3;
	[tilespmem:s30+$0x6A30] =	vst v0  }
0x39: {  	[tilespmem:s30+$0x6A00] =	vst v2;
	v2 =	vmul.f32 $1.999999960e-02, v4  }
0x3a: {  	s31 =	sshra.s32 @!p0 s1, $0x2;
	[tilespmem:s30+$0x6A10] =	vst v1  }
0x3b: {  	s0 =	simm.s32 @!p0 $0x32;
	s13 =	simm.s32 @!p0 $0x3800;
	s1 =	sadd.s32 @!p0 $0xE0, s31;
	[tilespmem:s30+$0x6A20] =	vst v2  }
0x3c: {  	[tilespmem:s13], [sflag:$0x1] =	stream.indirect.gather @!p0 [hbm4b:s3+s0], $0x40, s1, s0, $0xb8;
	[tilespmem:$0x8A00] =	vst v63  }
0x3d: {  	_ =	swait.ge [sflag:s20], $0xC80  }
0x3e: {  	[sflag:s20] =	ssyncset.done $0x0  }
0x3f: {  	s13 =	simm.s32 $0x0;
	[sflag:s20] =	ssyncadd.s32 $0xFFFFF380  }
0x40: {  	v1 =	vld [tilespmem:s13+$0x44B0]  }
0x41: {  	v2 =	vld [tilespmem:s13+$0x4480]  }
0x42: {  	v5 =	vimm.f32 $0.0e+00;
	v3 =	vld [tilespmem:s13+$0x4490]  }
0x43: {  	v6 =	vimm.f32 $0.0e+00;
	v7 =	vimm.f32 $0.0e+00;
	v0 =	vimm.f32 $0.0e+00;
	s1 =	simm.s32 $0x100;
	v4 =	vld [tilespmem:s13+$0x44A0]  }
.LBB2_5:
0x44: {  	p1 =	sne.s32 s1, $0x3100  }
.Ltmp3:
0x45: {  	s0 =	sshra.s32 s1, $0x2;
	s1 =	sadd.s32 $0x100, s1;
	v0 =	vadd.f32 v1, v0;
	(pc) =	sbr.rel @p1 .LBB2_5-.Ltmp3, $4  }
0x46: {  	v1 =	vld [tilespmem:s0+$0x44B0];
	v5 =	vadd.f32 v2, v5  }
0x47: {  	v2 =	vld [tilespmem:s0+$0x4480];
	v6 =	vadd.f32 v3, v6  }
0x48: {  	v3 =	vld [tilespmem:s0+$0x4490];
	v7 =	vadd.f32 v4, v7  }
0x49: {  	v4 =	vld [tilespmem:s0+$0x44A0]  }
0x4a: {  	_ = 	snop  }
0x4b: {  	v0 =	vadd.f32 v1, v0  }
0x4c: {  	v2 =	vadd.f32 v2, v5  }
0x4d: {  	v3 =	vadd.f32 v3, v6;
	v0 =	vmul.f32 $1.999999960e-02, v0  }
0x4e: {  	v4 =	vadd.f32 v4, v7;
	v2 =	vmul.f32 $1.999999960e-02, v2  }
0x4f: {  	v1 =	vmul.f32 $1.999999960e-02, v3;
	[tilespmem:s30+$0x6A70] =	vst v0  }
0x50: {  	[tilespmem:s30+$0x6A40] =	vst v2;
	v2 =	vmul.f32 $1.999999960e-02, v4  }
0x51: {  	[tilespmem:s30+$0x6A50] =	vst v1  }
0x52: {  	s0 =	sadd.s32 @!p0 $0x118, s31;
	s1 =	simm.s32 @!p0 $0x32;
	s13 =	simm.s32 @!p0 $0x4480;
	[tilespmem:s30+$0x6A60] =	vst v2  }
0x53: {  	[tilespmem:s13], [sflag:$0x2] =	stream.indirect.gather @!p0 [hbm4b:s3+s1], $0x40, s0, s1, $0xb8;
	[tilespmem:$0x8A00] =	vst v63  }
0x54: {  	_ =	swait.ge [sflag:s21], $0xC80  }
0x55: {  	[sflag:s21] =	ssyncset.done $0x0  }
0x56: {  	s13 =	simm.s32 $0x0;
	[sflag:s21] =	ssyncadd.s32 $0xFFFFF380  }
0x57: {  	v1 =	vld [tilespmem:s13+$0x5130]  }
0x58: {  	v2 =	vld [tilespmem:s13+$0x5100]  }
0x59: {  	v5 =	vimm.f32 $0.0e+00;
	v3 =	vld [tilespmem:s13+$0x5110]  }
0x5a: {  	v6 =	vimm.f32 $0.0e+00;
	v7 =	vimm.f32 $0.0e+00;
	v0 =	vimm.f32 $0.0e+00;
	s1 =	simm.s32 $0x100;
	v4 =	vld [tilespmem:s13+$0x5120]  }
.LBB2_7:
0x5b: {  	p1 =	sne.s32 s1, $0x3100  }
.Ltmp4:
0x5c: {  	s0 =	sshra.s32 s1, $0x2;
	s1 =	sadd.s32 $0x100, s1;
	v0 =	vadd.f32 v1, v0;
	(pc) =	sbr.rel @p1 .LBB2_7-.Ltmp4, $4  }
0x5d: {  	v1 =	vld [tilespmem:s0+$0x5130];
	v5 =	vadd.f32 v2, v5  }
0x5e: {  	v2 =	vld [tilespmem:s0+$0x5100];
	v6 =	vadd.f32 v3, v6  }
0x5f: {  	v3 =	vld [tilespmem:s0+$0x5110];
	v7 =	vadd.f32 v4, v7  }
0x60: {  	v4 =	vld [tilespmem:s0+$0x5120]  }
0x61: {  	_ = 	snop  }
0x62: {  	v0 =	vadd.f32 v1, v0  }
0x63: {  	v2 =	vadd.f32 v2, v5  }
0x64: {  	v3 =	vadd.f32 v3, v6;
	v0 =	vmul.f32 $1.999999960e-02, v0  }
0x65: {  	v4 =	vadd.f32 v4, v7;
	v2 =	vmul.f32 $1.999999960e-02, v2  }
0x66: {  	v1 =	vmul.f32 $1.999999960e-02, v3;
	[tilespmem:s30+$0x6AB0] =	vst v0  }
0x67: {  	[tilespmem:s30+$0x6A80] =	vst v2;
	v2 =	vmul.f32 $1.999999960e-02, v4  }
0x68: {  	[tilespmem:s30+$0x6A90] =	vst v1  }
0x69: {  	s0 =	sadd.s32 @!p0 $0x150, s31;
	s1 =	simm.s32 @!p0 $0x32;
	s13 =	simm.s32 @!p0 $0x5100;
	[tilespmem:s30+$0x6AA0] =	vst v2  }
0x6a: {  	[tilespmem:s13], [sflag:$0x3] =	stream.indirect.gather @!p0 [hbm4b:s3+s1], $0x40, s0, s1, $0xb8;
	[tilespmem:$0x8A00] =	vst v63  }
0x6b: {  	_ =	swait.ge [sflag:s22], $0xC80  }
0x6c: {  	[sflag:s22] =	ssyncset.done $0x0  }
0x6d: {  	s31 =	simm.s32 $0x0;
	[sflag:s22] =	ssyncadd.s32 $0xFFFFF380  }
0x6e: {  	v1 =	vld [tilespmem:s31+$0x5DB0]  }
0x6f: {  	v2 =	vld [tilespmem:s31+$0x5D80]  }
0x70: {  	v5 =	vimm.f32 $0.0e+00;
	v3 =	vld [tilespmem:s31+$0x5D90]  }
0x71: {  	v6 =	vimm.f32 $0.0e+00;
	v7 =	vimm.f32 $0.0e+00;
	v0 =	vimm.f32 $0.0e+00;
	s1 =	simm.s32 $0x100;
	v4 =	vld [tilespmem:s31+$0x5DA0]  }
.LBB2_9:
0x72: {  	p1 =	sne.s32 s1, $0x3100  }
.Ltmp5:
0x73: {  	s0 =	sshra.s32 s1, $0x2;
	s1 =	sadd.s32 $0x100, s1;
	v0 =	vadd.f32 v1, v0;
	(pc) =	sbr.rel @p1 .LBB2_9-.Ltmp5, $4  }
0x74: {  	v1 =	vld [tilespmem:s0+$0x5DB0];
	v5 =	vadd.f32 v2, v5  }
0x75: {  	v2 =	vld [tilespmem:s0+$0x5D80];
	v6 =	vadd.f32 v3, v6  }
0x76: {  	v3 =	vld [tilespmem:s0+$0x5D90];
	v7 =	vadd.f32 v4, v7  }
0x77: {  	v4 =	vld [tilespmem:s0+$0x5DA0]  }
0x78: {  	_ = 	snop  }
0x79: {  	v0 =	vadd.f32 v1, v0  }
0x7a: {  	v2 =	vadd.f32 v2, v5  }
0x7b: {  	v3 =	vadd.f32 v3, v6;
	v0 =	vmul.f32 $1.999999960e-02, v0  }
.Ltmp6:
0x7c: {  	v4 =	vadd.f32 v4, v7;
	v2 =	vmul.f32 $1.999999960e-02, v2;
	(pc) =	sbr.rel @p0 .LBB2_12-.Ltmp6, $4  }
0x7d: {  	v62 =	vmul.f32 $1.999999960e-02, v3;
	[tilespmem:s30+$0x6AF0] =	vst v0  }
0x7e: {  	[tilespmem:s30+$0x6AC0] =	vst v2;
	v63 =	vmul.f32 $1.999999960e-02, v4  }
0x7f: {  	[tilespmem:s30+$0x6AD0] =	vst v62  }
0x80: {  	[tilespmem:s30+$0x6AE0] =	vst v63  }
0x81: {  	s0 =	smul.u32 $0x380, s29  }
.Ltmp7:
0x82: {  	_ = 	snop;
	(pc) =	sbr.rel .LBB2_2-.Ltmp7, $4  }
0x83: {  	_ = 	snop  }
0x84: {  	s0 =	sshra.s32 s0, $0x2  }
0x85: {  	s29 =	sadd.s32 $0x1, s29;
	s0 =	sadd.s32 $0x188, s0  }
0x86: {  	[tilespmem:s18], [sflag:$0x4] =	stream.indirect.gather [hbm4b:s3+s11], $0x40, s0, s11, $0xb8;
	[tilespmem:$0x8A00] =	vst v63  }
.LBB2_12:
0x87: {  	s29 =	simm.s32 $0x0  }
0x88: {  	[hbm4b:s6+s29] =	stream.linear.scatter [tilespmem:s23], [sflag:$0x5], $0x2000, $0x38;
	[tilespmem:$0x8A00] =	vst v63  }
0x89: {  	_ =	swait.ge [sflag:s9], $0x2000  }
0x8a: {  	[sflag:s9] =	ssyncset.done $0x0  }
0x8b: {  	[sflag:s9] =	ssyncadd.s32 $0xFFFFE000  }
0x8c: {  	[tilespmem:s12], [sflag:$0x1] =	stream.indirect.gather [hbm4b:s3+s11], $0x40, s10, s11, $0xb8;
	[tilespmem:$0x8A00] =	vst v63  }
0x8d: {  	_ = 	snop  }
0x8e: {  	[tilespmem:s14], [sflag:$0x2] =	stream.indirect.gather [hbm4b:s3+s11], $0x40, s24, s11, $0xb8;
	[tilespmem:$0x8A00] =	vst v63  }
0x8f: {  	_ = 	snop  }
0x90: {  	[tilespmem:s16], [sflag:$0x3] =	stream.indirect.gather [hbm4b:s3+s11], $0x40, s25, s11, $0xb8;
	[tilespmem:$0x8A00] =	vst v63  }
0x91: {  	_ = 	snop  }
0x92: {  	[tilespmem:s18], [sflag:$0x4] =	stream.indirect.gather [hbm4b:s3+s11], $0x40, s26, s11, $0xb8;
	[tilespmem:$0x8A00] =	vst v63  }
.LBB2_13:
0x93: {  	_ =	swait.ge [sflag:s19], $0xC80  }
0x94: {  	[sflag:s19] =	ssyncset.done $0x0  }
0x95: {  	s0 =	simm.s32 $0x0;
	[sflag:s19] =	ssyncadd.s32 $0xFFFFF380  }
0x96: {  	v1 =	vld [tilespmem:s0+$0x3830]  }
0x97: {  	v2 =	vld [tilespmem:s0+$0x3800]  }
0x98: {  	v0 =	vimm.f32 $0.0e+00;
	v3 =	vld [tilespmem:s0+$0x3810]  }
0x99: {  	s1 =	simm.s32 $0x100;
	v5 =	vimm.f32 $0.0e+00;
	v6 =	vimm.f32 $0.0e+00;
	v7 =	vimm.f32 $0.0e+00;
	v4 =	vld [tilespmem:s0+$0x3820]  }
.LBB2_14:
0x9a: {  	p0 =	sne.s32 s1, $0x3100  }
.Ltmp8:
0x9b: {  	s0 =	sshra.s32 s1, $0x2;
	s1 =	sadd.s32 $0x100, s1;
	v0 =	vadd.f32 v1, v0;
	(pc) =	sbr.rel @p0 .LBB2_14-.Ltmp8, $4  }
0x9c: {  	v1 =	vld [tilespmem:s0+$0x3830];
	v5 =	vadd.f32 v2, v5  }
0x9d: {  	v2 =	vld [tilespmem:s0+$0x3800];
	v6 =	vadd.f32 v3, v6  }
0x9e: {  	v3 =	vld [tilespmem:s0+$0x3810];
	v7 =	vadd.f32 v4, v7  }
0x9f: {  	v4 =	vld [tilespmem:s0+$0x3820]  }
0xa0: {  	_ = 	snop  }
0xa1: {  	v0 =	vadd.f32 v1, v0  }
0xa2: {  	v2 =	vadd.f32 v2, v5  }
0xa3: {  	s0 =	sshll.u32 s29, $0x8;
	v3 =	vadd.f32 v3, v6;
	v0 =	vmul.f32 $1.999999960e-02, v0  }
0xa4: {  	p0 =	seq.s32 s29, $0x1F;
	s30 =	sand.u32 $0x3FFFFF00, s0;
	v4 =	vadd.f32 v4, v7;
	v2 =	vmul.f32 $1.999999960e-02, v2  }
0xa5: {  	s0 =	smul.u32 @!p0 $0x380, s29;
	v1 =	vmul.f32 $1.999999960e-02, v3;
	[tilespmem:s30+$0x6A30] =	vst v0  }
0xa6: {  	[tilespmem:s30+$0x6A00] =	vst v2;
	v2 =	vmul.f32 $1.999999960e-02, v4  }
0xa7: {  	s31 =	sshra.s32 @!p0 s0, $0x2;
	[tilespmem:s30+$0x6A10] =	vst v1  }
0xa8: {  	s1 =	simm.s32 @!p0 $0x32;
	s13 =	simm.s32 @!p0 $0x3800;
	s0 =	sadd.s32 @!p0 $0x1CE0, s31;
	[tilespmem:s30+$0x6A20] =	vst v2  }
0xa9: {  	[tilespmem:s13], [sflag:$0x1] =	stream.indirect.gather @!p0 [hbm4b:s3+s1], $0x40, s0, s1, $0xb8;
	[tilespmem:$0x8A00] =	vst v63  }
0xaa: {  	_ =	swait.ge [sflag:s20], $0xC80  }
0xab: {  	[sflag:s20] =	ssyncset.done $0x0  }
0xac: {  	s13 =	simm.s32 $0x0;
	[sflag:s20] =	ssyncadd.s32 $0xFFFFF380  }
0xad: {  	v1 =	vld [tilespmem:s13+$0x44B0]  }
0xae: {  	v2 =	vld [tilespmem:s13+$0x4480]  }
0xaf: {  	v5 =	vimm.f32 $0.0e+00;
	v3 =	vld [tilespmem:s13+$0x4490]  }
0xb0: {  	v6 =	vimm.f32 $0.0e+00;
	v7 =	vimm.f32 $0.0e+00;
	v0 =	vimm.f32 $0.0e+00;
	s1 =	simm.s32 $0x100;
	v4 =	vld [tilespmem:s13+$0x44A0]  }
.LBB2_16:
0xb1: {  	p1 =	sne.s32 s1, $0x3100  }
.Ltmp9:
0xb2: {  	s0 =	sshra.s32 s1, $0x2;
	s1 =	sadd.s32 $0x100, s1;
	v0 =	vadd.f32 v1, v0;
	(pc) =	sbr.rel @p1 .LBB2_16-.Ltmp9, $4  }
0xb3: {  	v1 =	vld [tilespmem:s0+$0x44B0];
	v5 =	vadd.f32 v2, v5  }
0xb4: {  	v2 =	vld [tilespmem:s0+$0x4480];
	v6 =	vadd.f32 v3, v6  }
0xb5: {  	v3 =	vld [tilespmem:s0+$0x4490];
	v7 =	vadd.f32 v4, v7  }
0xb6: {  	v4 =	vld [tilespmem:s0+$0x44A0]  }
0xb7: {  	_ = 	snop  }
0xb8: {  	v0 =	vadd.f32 v1, v0  }
0xb9: {  	v2 =	vadd.f32 v2, v5  }
0xba: {  	v3 =	vadd.f32 v3, v6;
	v0 =	vmul.f32 $1.999999960e-02, v0  }
0xbb: {  	v4 =	vadd.f32 v4, v7;
	v2 =	vmul.f32 $1.999999960e-02, v2  }
0xbc: {  	v1 =	vmul.f32 $1.999999960e-02, v3;
	[tilespmem:s30+$0x6A70] =	vst v0  }
0xbd: {  	[tilespmem:s30+$0x6A40] =	vst v2;
	v2 =	vmul.f32 $1.999999960e-02, v4  }
0xbe: {  	[tilespmem:s30+$0x6A50] =	vst v1  }
0xbf: {  	s0 =	sadd.s32 @!p0 $0x1D18, s31;
	s1 =	simm.s32 @!p0 $0x32;
	s13 =	simm.s32 @!p0 $0x4480;
	[tilespmem:s30+$0x6A60] =	vst v2  }
0xc0: {  	[tilespmem:s13], [sflag:$0x2] =	stream.indirect.gather @!p0 [hbm4b:s3+s1], $0x40, s0, s1, $0xb8;
	[tilespmem:$0x8A00] =	vst v63  }
0xc1: {  	_ =	swait.ge [sflag:s21], $0xC80  }
0xc2: {  	[sflag:s21] =	ssyncset.done $0x0  }
0xc3: {  	s13 =	simm.s32 $0x0;
	[sflag:s21] =	ssyncadd.s32 $0xFFFFF380  }
0xc4: {  	v1 =	vld [tilespmem:s13+$0x5130]  }
0xc5: {  	v2 =	vld [tilespmem:s13+$0x5100]  }
0xc6: {  	v5 =	vimm.f32 $0.0e+00;
	v3 =	vld [tilespmem:s13+$0x5110]  }
0xc7: {  	v6 =	vimm.f32 $0.0e+00;
	v7 =	vimm.f32 $0.0e+00;
	v0 =	vimm.f32 $0.0e+00;
	s1 =	simm.s32 $0x100;
	v4 =	vld [tilespmem:s13+$0x5120]  }
.LBB2_18:
0xc8: {  	p1 =	sne.s32 s1, $0x3100  }
.Ltmp10:
0xc9: {  	s0 =	sshra.s32 s1, $0x2;
	s1 =	sadd.s32 $0x100, s1;
	v0 =	vadd.f32 v1, v0;
	(pc) =	sbr.rel @p1 .LBB2_18-.Ltmp10, $4  }
0xca: {  	v1 =	vld [tilespmem:s0+$0x5130];
	v5 =	vadd.f32 v2, v5  }
0xcb: {  	v2 =	vld [tilespmem:s0+$0x5100];
	v6 =	vadd.f32 v3, v6  }
0xcc: {  	v3 =	vld [tilespmem:s0+$0x5110];
	v7 =	vadd.f32 v4, v7  }
0xcd: {  	v4 =	vld [tilespmem:s0+$0x5120]  }
0xce: {  	_ = 	snop  }
0xcf: {  	v0 =	vadd.f32 v1, v0  }
0xd0: {  	v2 =	vadd.f32 v2, v5  }
0xd1: {  	v3 =	vadd.f32 v3, v6;
	v0 =	vmul.f32 $1.999999960e-02, v0  }
0xd2: {  	v4 =	vadd.f32 v4, v7;
	v2 =	vmul.f32 $1.999999960e-02, v2  }
0xd3: {  	v1 =	vmul.f32 $1.999999960e-02, v3;
	[tilespmem:s30+$0x6AB0] =	vst v0  }
0xd4: {  	[tilespmem:s30+$0x6A80] =	vst v2;
	v2 =	vmul.f32 $1.999999960e-02, v4  }
0xd5: {  	[tilespmem:s30+$0x6A90] =	vst v1  }
0xd6: {  	s0 =	sadd.s32 @!p0 $0x1D50, s31;
	s1 =	simm.s32 @!p0 $0x32;
	s13 =	simm.s32 @!p0 $0x5100;
	[tilespmem:s30+$0x6AA0] =	vst v2  }
0xd7: {  	[tilespmem:s13], [sflag:$0x3] =	stream.indirect.gather @!p0 [hbm4b:s3+s1], $0x40, s0, s1, $0xb8;
	[tilespmem:$0x8A00] =	vst v63  }
0xd8: {  	_ =	swait.ge [sflag:s22], $0xC80  }
0xd9: {  	[sflag:s22] =	ssyncset.done $0x0  }
0xda: {  	s31 =	simm.s32 $0x0;
	[sflag:s22] =	ssyncadd.s32 $0xFFFFF380  }
0xdb: {  	v1 =	vld [tilespmem:s31+$0x5DB0]  }
0xdc: {  	v2 =	vld [tilespmem:s31+$0x5D80]  }
0xdd: {  	v5 =	vimm.f32 $0.0e+00;
	v3 =	vld [tilespmem:s31+$0x5D90]  }
0xde: {  	v6 =	vimm.f32 $0.0e+00;
	v7 =	vimm.f32 $0.0e+00;
	v0 =	vimm.f32 $0.0e+00;
	s1 =	simm.s32 $0x100;
	v4 =	vld [tilespmem:s31+$0x5DA0]  }
.LBB2_20:
0xdf: {  	p1 =	sne.s32 s1, $0x3100  }
.Ltmp11:
0xe0: {  	s0 =	sshra.s32 s1, $0x2;
	s1 =	sadd.s32 $0x100, s1;
	v0 =	vadd.f32 v1, v0;
	(pc) =	sbr.rel @p1 .LBB2_20-.Ltmp11, $4  }
0xe1: {  	v1 =	vld [tilespmem:s0+$0x5DB0];
	v5 =	vadd.f32 v2, v5  }
0xe2: {  	v2 =	vld [tilespmem:s0+$0x5D80];
	v6 =	vadd.f32 v3, v6  }
0xe3: {  	v3 =	vld [tilespmem:s0+$0x5D90];
	v7 =	vadd.f32 v4, v7  }
0xe4: {  	v4 =	vld [tilespmem:s0+$0x5DA0]  }
0xe5: {  	_ = 	snop  }
0xe6: {  	v0 =	vadd.f32 v1, v0  }
0xe7: {  	v2 =	vadd.f32 v2, v5  }
0xe8: {  	v3 =	vadd.f32 v3, v6;
	v0 =	vmul.f32 $1.999999960e-02, v0  }
.Ltmp12:
0xe9: {  	v4 =	vadd.f32 v4, v7;
	v2 =	vmul.f32 $1.999999960e-02, v2;
	(pc) =	sbr.rel @p0 .LBB2_23-.Ltmp12, $4  }
0xea: {  	v62 =	vmul.f32 $1.999999960e-02, v3;
	[tilespmem:s30+$0x6AF0] =	vst v0  }
0xeb: {  	[tilespmem:s30+$0x6AC0] =	vst v2;
	v63 =	vmul.f32 $1.999999960e-02, v4  }
0xec: {  	[tilespmem:s30+$0x6AD0] =	vst v62  }
0xed: {  	[tilespmem:s30+$0x6AE0] =	vst v63  }
0xee: {  	s0 =	smul.u32 $0x380, s29  }
.Ltmp13:
0xef: {  	_ = 	snop;
	(pc) =	sbr.rel .LBB2_13-.Ltmp13, $4  }
0xf0: {  	_ = 	snop  }
0xf1: {  	s0 =	sshra.s32 s0, $0x2  }
0xf2: {  	s29 =	sadd.s32 $0x1, s29;
	s0 =	sadd.s32 $0x1D88, s0  }
0xf3: {  	[tilespmem:s18], [sflag:$0x4] =	stream.indirect.gather [hbm4b:s3+s11], $0x40, s0, s11, $0xb8;
	[tilespmem:$0x8A00] =	vst v63  }
.LBB2_24:
0xf4: {  	_ =	sfence.sel $0x180000  }
0xf5: {  	[bflag:$0x0] =	sbarrier.arrive $0xFFFF  }
0xf6: {  	_ =	strace $0x90000047  }
0xf7: {  	s0 =	stileid.u32;
	[bflag:$0x2] =	sbarrier.arrive $0xFFFF  }
0xf8: {  	p0 =	sne.s32 s0, $0x0;
	s0 =	rddreg [dreg:$0x1]  }
0xf9: {  	s0 =	sadd.s32 @!p0 $0x100000, s0  }
0xfa: {  	[sflag:s0] =	ssyncadd.tile.s32 @!p0 $0x1;
	_ =	shalt  }
.Lfunc_end2:
_tile_overlayer_lowered:
.L_overlay_start_2:
0xfb: {  	(tag) =	ssettag $0x2  }
0xfc: {  	s0 =	rddreg [dreg:$0x0];
	s2 =	stileid.u32  }
0xfd: {  	s1 =	rddreg [dreg:$0x1];
	p0 =	sne.s32 s2, $0x0  }
0xfe: {  	s3 =	rddreg [dreg:$0x2];
	[bflag:$0x3] =	sbarrier.arrive $0xFFFF;
	s2 =	simm.s32 @!p0 $0x1C05  }
0xff: {  	[timem:s3], [sflag:s2] =	dma.local @!p0 [hbm:s0], s1  }
0x100: {  	s0 =	simm.s32 @!p0 $0x5  }
0x101: {  	_ =	swait.ge @!p0 [sflag:s0], s1  }
0x102: {  	s1 =	ssub.s32 @!p0 $0x0, s1;
	[sflag:s0] =	ssyncset.done @!p0 $0x0  }
0x103: {  	[sflag:s0] =	ssyncadd.s32 @!p0 s1  }
0x104: {  	[bflag:$0x3] =	sbarrier.arrive $0xFFFF  }
0x105: {  	_ =	shalt  }

</sc_bundles>
